<compile_context>
chip_gen: v7x
topology: tpu7x:2x2x1
jax: 0.10.2.dev20260603
libtpu: 0.0.44.dev20260713+nightly
codegen_flags: <defaults>
</compile_context>

<pallas_src>
import functools

import jax
import jax.numpy as jnp
from jax import lax
from jax.experimental import pallas as pl
from jax.experimental.pallas import tpu as pltpu
from jax.experimental.pallas import tpu_sc as plsc

_N_RAYS = 65536
_RES = 128
_NSAMP = 128
_NEAR = 0.1
_FAR = 3.0
_OCC_THRES = 0.01
_TAB = _RES * _RES * _RES

_SBLK = 8
_RV = _N_RAYS // 1024


def _idx_body(t_ref, ox_ref, oy_ref, oz_ref, dx_ref, dy_ref, dz_ref, idx_ref):
    j = pl.program_id(0)
    dxv, dyv, dzv = dx_ref[...], dy_ref[...], dz_ref[...]
    norm = jnp.sqrt(dxv * dxv + dyv * dyv + dzv * dzv) + 1e-8
    inv = 64.0 / norm
    ax = ox_ref[...] * 64.0 + 64.0
    ay = oy_ref[...] * 64.0 + 64.0
    az = oz_ref[...] * 64.0 + 64.0
    bx, by, bz = dxv * inv, dyv * inv, dzv * inv

    rv = dx_ref.shape[0]
    for sl in range(_SBLK):
        ts = t_ref[j * _SBLK + sl]
        ix = jnp.floor(ax + bx * ts).astype(jnp.int32)
        iy = jnp.floor(ay + by * ts).astype(jnp.int32)
        iz = jnp.floor(az + bz * ts).astype(jnp.int32)
        flat = ((ix << 14) + (iy << 7) + iz) & (_TAB - 1)
        idx_ref[pl.ds(sl * rv, rv)] = flat


def _compute_idx(t_mid, ox, oy, oz, dx, dy, dz):
    rv = ox.shape[0]
    nblk = _NSAMP // _SBLK
    ray_spec = pl.BlockSpec((rv, 8, 128), lambda b: (0, 0, 0))
    return pl.pallas_call(
        _idx_body,
        grid=(nblk,),
        in_specs=[pl.BlockSpec(memory_space=pltpu.SMEM)] + [ray_spec] * 6,
        out_specs=pl.BlockSpec((_SBLK * rv, 8, 128), lambda b: (b, 0, 0)),
        out_shape=jax.ShapeDtypeStruct((_NSAMP * rv, 8, 128), jnp.int32),
    )(t_mid, ox, oy, oz, dx, dy, dz)


def _sc_gather(table, idx_flat):
    nw = 32
    b_total = idx_flat.shape[0]
    b_per_w = b_total // nw
    ch = 32768
    nch = b_per_w // ch
    mesh = plsc.VectorSubcoreMesh(core_axis_name="c", subcore_axis_name="s")

    @functools.partial(
        pl.kernel,
        out_type=jax.ShapeDtypeStruct((b_total,), jnp.float32),
        mesh=mesh,
        scratch_types=[
            pltpu.VMEM((ch,), jnp.int32),
            pltpu.VMEM((ch,), jnp.float32),
            pltpu.VMEM((ch,), jnp.float32),
            pltpu.SemaphoreType.DMA,
            pltpu.SemaphoreType.DMA,
        ],
    )
    def gather_k(tab_hbm, idx_hbm, out_hbm, idx_v, occ_v0, occ_v1,
                 sem_g, sem_out):
        occ_v = [occ_v0, occ_v1]
        wid = lax.axis_index("s") * 2 + lax.axis_index("c")
        base = wid * b_per_w

        out_descs = [None] * nch
        for c in range(nch):
            b = c % 2
            pltpu.sync_copy(idx_hbm.at[pl.ds(base + c * ch, ch)], idx_v)
            if c >= 2:
                out_descs[c - 2].wait()
            pltpu.async_copy(tab_hbm.at[idx_v], occ_v[b], sem_g).wait()
            out_descs[c] = pltpu.async_copy(
                occ_v[b], out_hbm.at[pl.ds(base + c * ch, ch)], sem_out)
        for c in range(max(0, nch - 2), nch):
            out_descs[c].wait()

    return gather_k(table, idx_flat)


def _comp_body(t_ref, dt_ref, occ_ref, ox_ref, oy_ref, oz_ref,
               dx_ref, dy_ref, dz_ref, cx_ref, cy_ref, cz_ref):
    oxv = ox_ref[...][0]
    oyv = oy_ref[...][0]
    ozv = oz_ref[...][0]
    dxv = dx_ref[...][0]
    dyv = dy_ref[...][0]
    dzv = dz_ref[...][0]
    norm = jnp.sqrt(dxv * dxv + dyv * dyv + dzv * dzv) + 1e-8
    inv = 1.0 / norm
    ndx, ndy, ndz = dxv * inv, dyv * inv, dzv * inv

    def slab(a, b):
        r = 1.0 / (b * 64.0)
        la = (0.0 - a) * r
        lb = (128.0 - a) * r
        return jnp.minimum(la, lb), jnp.maximum(la, lb)

    lox, hix = slab(oxv * 64.0 + 64.0, ndx)
    loy, hiy = slab(oyv * 64.0 + 64.0, ndy)
    loz, hiz = slab(ozv * 64.0 + 64.0, ndz)
    t_lo = jnp.maximum(jnp.maximum(lox, loy), loz)
    t_hi = jnp.minimum(jnp.minimum(hix, hiy), hiz)

    occ = occ_ref[...][:, 0]
    t3 = t_ref[...].reshape(_NSAMP, 1, 1)
    inside = (t3 >= t_lo) & (t3 <= t_hi)
    sp = jnp.log1p(jnp.exp(occ))
    sigma = jnp.where((occ > _OCC_THRES) & inside, sp, 0.0)
    cum = sigma * dt_ref[...].reshape(_NSAMP, 1, 1)
    k = 1
    while k < _NSAMP:
        z = jnp.zeros((k, 8, 128), jnp.float32)
        cum = cum + jnp.concatenate([z, cum[:-k]], axis=0)
        k *= 2
    e = jnp.exp(-cum)
    e_prev = jnp.concatenate(
        [jnp.ones((1, 8, 128), jnp.float32), e[:-1]], axis=0)
    w = e_prev - e
    wsum = 1.0 - e[_NSAMP - 1]
    tsum = jnp.sum(w * t3, axis=0)

    cx_ref[0] = oxv * wsum + ndx * tsum
    cy_ref[0] = oyv * wsum + ndy * tsum
    cz_ref[0] = ozv * wsum + ndz * tsum


def _composite(t_mid, dt, occ4, ox, oy, oz, dx, dy, dz):
    rv = ox.shape[0]
    tcol_spec = pl.BlockSpec((_NSAMP, 1), lambda b: (0, 0))
    ray_spec = pl.BlockSpec((1, 8, 128), lambda b: (b, 0, 0))
    out_sds = jax.ShapeDtypeStruct((rv, 8, 128), jnp.float32)
    return pl.pallas_call(
        _comp_body,
        grid=(rv,),
        in_specs=[tcol_spec, tcol_spec,
                  pl.BlockSpec((_NSAMP, 1, 8, 128), lambda b: (0, b, 0, 0))]
                 + [ray_spec] * 6,
        out_specs=[ray_spec] * 3,
        out_shape=[out_sds, out_sds, out_sds],
    )(t_mid.reshape(_NSAMP, 1), dt.reshape(_NSAMP, 1),
      occ4, ox, oy, oz, dx, dy, dz)


def kernel(rays_o, rays_d, occ_grid):
    f32 = jnp.float32
    t_edges = jnp.linspace(_NEAR, _FAR, _NSAMP + 1, dtype=f32)
    t_mid = 0.5 * (t_edges[:-1] + t_edges[1:])
    dt = t_edges[1:] - t_edges[:-1]

    ox = rays_o[:, 0].reshape(_RV, 8, 128)
    oy = rays_o[:, 1].reshape(_RV, 8, 128)
    oz = rays_o[:, 2].reshape(_RV, 8, 128)
    dx = rays_d[:, 0].reshape(_RV, 8, 128)
    dy = rays_d[:, 1].reshape(_RV, 8, 128)
    dz = rays_d[:, 2].reshape(_RV, 8, 128)

    h = _RV // 4
    outs = []
    halves = []
    for p in range(4):
        sl = slice(p * h, (p + 1) * h)
        args = (ox[sl], oy[sl], oz[sl], dx[sl], dy[sl], dz[sl])
        idx3 = _compute_idx(t_mid, *args)
        occ = _sc_gather(occ_grid, idx3.reshape(-1))
        halves.append((occ.reshape(_NSAMP, h, 8, 128), args))
    for occ4, args in halves:
        outs.append(_composite(t_mid, dt, occ4, *args))
    cx = jnp.concatenate([o[0] for o in outs]).reshape(-1)
    cy = jnp.concatenate([o[1] for o in outs]).reshape(-1)
    cz = jnp.concatenate([o[2] for o in outs]).reshape(-1)
    return jnp.stack([cx, cy, cz], axis=-1)

# --- scband reference (transcript-rebuilt; emitter-appended) ---
"""Pipeline reference for scband-occ-grid-estim-38963943309826 (READ-ONLY COPY).

The authoritative reference and input builder live on the scoring server;
editing this copy changes nothing except your own understanding.
"""

import jax, jax.numpy as jnp
import numpy as np

N_RAYS = 65536
RES = 128
N_SAMPLES = 128
NEAR = 0.1
FAR = 3.0
OCC_THRES = 0.01
AABB_MIN = -1.0
AABB_MAX = 1.0


def setup_inputs(seed: int = 0) -> dict:
    key = jax.random.key(seed)
    k1, k2, k3 = jax.random.split(key, 3)
    rays_o = jax.random.normal(k1, (N_RAYS, 3), dtype=jnp.float32) * 0.1
    rays_d = jax.random.normal(k2, (N_RAYS, 3), dtype=jnp.float32)
    occ_grid = jax.random.uniform(k3, (RES * RES * RES,), dtype=jnp.float32)
    return {"rays_o": rays_o, "rays_d": rays_d, "occ_grid": occ_grid}


def reference(rays_o, rays_d, occ_grid):
    # OccGridEstim.sampling: march uniform steps along each ray, query the
    # occupancy grid at sample midpoints (gather), keep samples whose cell
    # occupancy exceeds occ_thres and that lie inside the aabb, then
    # composite (faithful to occ-grid sampling + sigma_fn midpoint eval).
    d = rays_d / (jnp.linalg.norm(rays_d, axis=-1, keepdims=True) + 1e-8)
    t_edges = jnp.linspace(NEAR, FAR, N_SAMPLES + 1, dtype=jnp.float32)
    t_starts = t_edges[:-1]
    t_ends = t_edges[1:]
    t_mid = 0.5 * (t_starts + t_ends)
    dt = t_ends - t_starts
    # positions = t_origins + t_dirs * (t_starts + t_ends)/2  (sigma_fn)
    positions = rays_o[:, None, :] + d[:, None, :] * t_mid[None, :, None]
    u = (positions - AABB_MIN) / (AABB_MAX - AABB_MIN)
    inside = jnp.all((u >= 0.0) & (u < 1.0), axis=-1)
    ijk = jnp.clip((u * RES).astype(jnp.int32), 0, RES - 1)
    flat_idx = (ijk[..., 0] * RES + ijk[..., 1]) * RES + ijk[..., 2]
    occ = jnp.take(occ_grid, flat_idx.reshape(-1), axis=0).reshape(N_RAYS, N_SAMPLES)
    occupied = occ > OCC_THRES
    valid = inside & occupied
    sigma = jax.nn.softplus(occ) * valid.astype(jnp.float32)
    alpha = 1.0 - jnp.exp(-sigma * dt[None, :])
    trans = jnp.cumprod(1.0 - alpha + 1e-10, axis=1)
    trans = jnp.concatenate([jnp.ones((N_RAYS, 1), jnp.float32), trans[:, :-1]], axis=1)
    weights = alpha * trans
    comp_pos = jnp.sum(weights[..., None] * positions, axis=1)
    return comp_pos

if __name__ == "__main__":
    import jax
    _d = setup_inputs()
    print(jax.jit(kernel)(*tuple(_d.values())))

</pallas_src>

<mosaic_0001>
#map = affine_map<(d0, d1) -> (0)>
module attributes {stable_mosaic.version = 14 : i64} {
  func.func @gather_k(%arg0: i32, %arg1: i32, %arg2: memref<2097152xf32, #tpu.memory_space<hbm>>, %arg3: memref<2097152xi32, #tpu.memory_space<hbm>>, %arg4: memref<2097152xf32, #tpu.memory_space<hbm>>, %arg5: memref<32768xi32, #tpu.memory_space<vmem>>, %arg6: memref<32768xf32, #tpu.memory_space<vmem>>, %arg7: memref<32768xf32, #tpu.memory_space<vmem>>, %arg8: memref<!tpu.dma_semaphore, #tpu.memory_space<semaphore_mem>>, %arg9: memref<!tpu.dma_semaphore, #tpu.memory_space<semaphore_mem>>) attributes {dimension_semantics = [#tpu.dimension_semantics<core_parallel>, #tpu.dimension_semantics<subcore_parallel>], iteration_bounds = array<i64: 2, 16>, scalar_prefetch = 0 : i64, scratch_operands = 5 : i64, tpu.core_type = #tpu.core_type<sc_vector_subcore>, window_params = [{transform_indices = #map}, {transform_indices = #map}, {transform_indices = #map}]} {
    %mul3A = arith.constant 2 : i32
    %mul3A_0 = arith.muli %arg1, %mul3A : i32
    %add3A = arith.addi %mul3A_0, %arg0 : i32
    %mul3A_1 = arith.constant 65536 : i32
    %mul3A_2 = arith.muli %add3A, %mul3A_1 : i32
    %add3A_3 = arith.constant 0 : i32
    %add3A_4 = arith.addi %mul3A_2, %add3A_3 : i32
    "tpu.region"() ({
      %run_scoped3A = tpu.sem_alloc : memref<!tpu.dma_semaphore, #tpu.memory_space<semaphore_mem>>
      %dma_start3A_25 = tpu.memref_slice %arg3[%add3A_4] : memref<2097152xi32, #tpu.memory_space<hbm>> -> memref<32768xi32, #tpu.memory_space<hbm>>
      %dma_start3A_26 = tpu.memref_slice %arg3[%add3A_4] : memref<2097152xi32, #tpu.memory_space<hbm>> -> memref<32768xi32, #tpu.memory_space<hbm>>
      tpu.enqueue_dma source(%dma_start3A_26 : memref<32768xi32, #tpu.memory_space<hbm>>) target(%arg5 : memref<32768xi32, #tpu.memory_space<vmem>>) target_semaphore(%run_scoped3A : memref<!tpu.dma_semaphore, #tpu.memory_space<semaphore_mem>>)
      %dma_wait3A_27 = tpu.memref_slice %arg3[%add3A_4] : memref<2097152xi32, #tpu.memory_space<hbm>> -> memref<32768xi32, #tpu.memory_space<hbm>>
      %dma_wait3A_28 = tpu.memref_slice %arg3[%add3A_4] : memref<2097152xi32, #tpu.memory_space<hbm>> -> memref<32768xi32, #tpu.memory_space<hbm>>
      tpu.wait_dma2 semaphore(%run_scoped3A : memref<!tpu.dma_semaphore, #tpu.memory_space<semaphore_mem>>) src(%dma_wait3A_28 : memref<32768xi32, #tpu.memory_space<hbm>>) dst(%arg5 : memref<32768xi32, #tpu.memory_space<vmem>>)
      tpu.yield
    }) : () -> ()
    %dma_start3A = arith.constant 0 : i32
    %dma_start3A_5 = tpu.memref_slice %arg2[%dma_start3A] : memref<2097152xf32, #tpu.memory_space<hbm>> -> memref<2097152xf32, #tpu.memory_space<hbm>>
    tpu.enqueue_indirect_dma source(%dma_start3A_5 : memref<2097152xf32, #tpu.memory_space<hbm>>) target(%arg6 : memref<32768xf32, #tpu.memory_space<vmem>>) offsets(%arg5 : memref<32768xi32, #tpu.memory_space<vmem>>) semaphore(%arg8 : memref<!tpu.dma_semaphore, #tpu.memory_space<semaphore_mem>>)
    %dma_wait3A = arith.constant 0 : i32
    %dma_wait3A_6 = tpu.memref_slice %arg2[%dma_wait3A] : memref<2097152xf32, #tpu.memory_space<hbm>> -> memref<2097152xf32, #tpu.memory_space<hbm>>
    tpu.wait_indirect_dma semaphore(%arg8 : memref<!tpu.dma_semaphore, #tpu.memory_space<semaphore_mem>>) src(%dma_wait3A_6 : memref<2097152xf32, #tpu.memory_space<hbm>>) dst(%arg6 : memref<32768xf32, #tpu.memory_space<vmem>>)
    %add3A_7 = arith.constant 0 : i32
    %add3A_8 = arith.addi %mul3A_2, %add3A_7 : i32
    %dma_start3A_9 = tpu.memref_slice %arg4[%add3A_8] : memref<2097152xf32, #tpu.memory_space<hbm>> -> memref<32768xf32, #tpu.memory_space<hbm>>
    %dma_start3A_10 = tpu.memref_slice %arg4[%add3A_8] : memref<2097152xf32, #tpu.memory_space<hbm>> -> memref<32768xf32, #tpu.memory_space<hbm>>
    tpu.enqueue_dma source(%arg6 : memref<32768xf32, #tpu.memory_space<vmem>>) target(%dma_start3A_10 : memref<32768xf32, #tpu.memory_space<hbm>>) target_semaphore(%arg9 : memref<!tpu.dma_semaphore, #tpu.memory_space<semaphore_mem>>)
    %add3A_11 = arith.constant 32768 : i32
    %add3A_12 = arith.addi %mul3A_2, %add3A_11 : i32
    "tpu.region"() ({
      %run_scoped3A = tpu.sem_alloc : memref<!tpu.dma_semaphore, #tpu.memory_space<semaphore_mem>>
      %dma_start3A_25 = tpu.memref_slice %arg3[%add3A_12] : memref<2097152xi32, #tpu.memory_space<hbm>> -> memref<32768xi32, #tpu.memory_space<hbm>>
      %dma_start3A_26 = tpu.memref_slice %arg3[%add3A_12] : memref<2097152xi32, #tpu.memory_space<hbm>> -> memref<32768xi32, #tpu.memory_space<hbm>>
      tpu.enqueue_dma source(%dma_start3A_26 : memref<32768xi32, #tpu.memory_space<hbm>>) target(%arg5 : memref<32768xi32, #tpu.memory_space<vmem>>) target_semaphore(%run_scoped3A : memref<!tpu.dma_semaphore, #tpu.memory_space<semaphore_mem>>)
      %dma_wait3A_27 = tpu.memref_slice %arg3[%add3A_12] : memref<2097152xi32, #tpu.memory_space<hbm>> -> memref<32768xi32, #tpu.memory_space<hbm>>
      %dma_wait3A_28 = tpu.memref_slice %arg3[%add3A_12] : memref<2097152xi32, #tpu.memory_space<hbm>> -> memref<32768xi32, #tpu.memory_space<hbm>>
      tpu.wait_dma2 semaphore(%run_scoped3A : memref<!tpu.dma_semaphore, #tpu.memory_space<semaphore_mem>>) src(%dma_wait3A_28 : memref<32768xi32, #tpu.memory_space<hbm>>) dst(%arg5 : memref<32768xi32, #tpu.memory_space<vmem>>)
      tpu.yield
    }) : () -> ()
    %dma_start3A_13 = arith.constant 0 : i32
    %dma_start3A_14 = tpu.memref_slice %arg2[%dma_start3A_13] : memref<2097152xf32, #tpu.memory_space<hbm>> -> memref<2097152xf32, #tpu.memory_space<hbm>>
    tpu.enqueue_indirect_dma source(%dma_start3A_14 : memref<2097152xf32, #tpu.memory_space<hbm>>) target(%arg7 : memref<32768xf32, #tpu.memory_space<vmem>>) offsets(%arg5 : memref<32768xi32, #tpu.memory_space<vmem>>) semaphore(%arg8 : memref<!tpu.dma_semaphore, #tpu.memory_space<semaphore_mem>>)
    %dma_wait3A_15 = arith.constant 0 : i32
    %dma_wait3A_16 = tpu.memref_slice %arg2[%dma_wait3A_15] : memref<2097152xf32, #tpu.memory_space<hbm>> -> memref<2097152xf32, #tpu.memory_space<hbm>>
    tpu.wait_indirect_dma semaphore(%arg8 : memref<!tpu.dma_semaphore, #tpu.memory_space<semaphore_mem>>) src(%dma_wait3A_16 : memref<2097152xf32, #tpu.memory_space<hbm>>) dst(%arg7 : memref<32768xf32, #tpu.memory_space<vmem>>)
    %add3A_17 = arith.constant 32768 : i32
    %add3A_18 = arith.addi %mul3A_2, %add3A_17 : i32
    %dma_start3A_19 = tpu.memref_slice %arg4[%add3A_18] : memref<2097152xf32, #tpu.memory_space<hbm>> -> memref<32768xf32, #tpu.memory_space<hbm>>
    %dma_start3A_20 = tpu.memref_slice %arg4[%add3A_18] : memref<2097152xf32, #tpu.memory_space<hbm>> -> memref<32768xf32, #tpu.memory_space<hbm>>
    tpu.enqueue_dma source(%arg7 : memref<32768xf32, #tpu.memory_space<vmem>>) target(%dma_start3A_20 : memref<32768xf32, #tpu.memory_space<hbm>>) target_semaphore(%arg9 : memref<!tpu.dma_semaphore, #tpu.memory_space<semaphore_mem>>)
    %dma_wait3A_21 = tpu.memref_slice %arg4[%add3A_8] : memref<2097152xf32, #tpu.memory_space<hbm>> -> memref<32768xf32, #tpu.memory_space<hbm>>
    %dma_wait3A_22 = tpu.memref_slice %arg4[%add3A_8] : memref<2097152xf32, #tpu.memory_space<hbm>> -> memref<32768xf32, #tpu.memory_space<hbm>>
    tpu.wait_dma2 semaphore(%arg9 : memref<!tpu.dma_semaphore, #tpu.memory_space<semaphore_mem>>) src(%arg6 : memref<32768xf32, #tpu.memory_space<vmem>>) dst(%dma_wait3A_22 : memref<32768xf32, #tpu.memory_space<hbm>>)
    %dma_wait3A_23 = tpu.memref_slice %arg4[%add3A_18] : memref<2097152xf32, #tpu.memory_space<hbm>> -> memref<32768xf32, #tpu.memory_space<hbm>>
    %dma_wait3A_24 = tpu.memref_slice %arg4[%add3A_18] : memref<2097152xf32, #tpu.memory_space<hbm>> -> memref<32768xf32, #tpu.memory_space<hbm>>
    tpu.wait_dma2 semaphore(%arg9 : memref<!tpu.dma_semaphore, #tpu.memory_space<semaphore_mem>>) src(%arg7 : memref<32768xf32, #tpu.memory_space<vmem>>) dst(%dma_wait3A_24 : memref<32768xf32, #tpu.memory_space<hbm>>)
    return
  }
}

#map = affine_map<(d0, d1) -> (0)>
module attributes {stable_mosaic.version = 14 : i64} {
  func.func @gather_k(%arg0: i32, %arg1: i32, %arg2: memref<2097152xf32, #tpu.memory_space<hbm>>, %arg3: memref<2097152xi32, #tpu.memory_space<hbm>>, %arg4: memref<2097152xf32, #tpu.memory_space<hbm>>, %arg5: memref<32768xi32, #tpu.memory_space<vmem>>, %arg6: memref<32768xf32, #tpu.memory_space<vmem>>, %arg7: memref<32768xf32, #tpu.memory_space<vmem>>, %arg8: memref<!tpu.dma_semaphore, #tpu.memory_space<semaphore_mem>>, %arg9: memref<!tpu.dma_semaphore, #tpu.memory_space<semaphore_mem>>) attributes {dimension_semantics = [#tpu.dimension_semantics<core_parallel>, #tpu.dimension_semantics<subcore_parallel>], iteration_bounds = array<i64: 2, 16>, scalar_prefetch = 0 : i64, scratch_operands = 5 : i64, tpu.core_type = #tpu.core_type<sc_vector_subcore>, window_params = [{transform_indices = #map}, {transform_indices = #map}, {transform_indices = #map}]} {
    %mul3A = arith.constant 2 : i32
    %mul3A_0 = arith.muli %arg1, %mul3A : i32
    %add3A = arith.addi %mul3A_0, %arg0 : i32
    %mul3A_1 = arith.constant 65536 : i32
    %mul3A_2 = arith.muli %add3A, %mul3A_1 : i32
    %add3A_3 = arith.constant 0 : i32
    %add3A_4 = arith.addi %mul3A_2, %add3A_3 : i32
    "tpu.region"() ({
      %run_scoped3A = tpu.sem_alloc : memref<!tpu.dma_semaphore, #tpu.memory_space<semaphore_mem>>
      %dma_start3A_25 = tpu.memref_slice %arg3[%add3A_4] : memref<2097152xi32, #tpu.memory_space<hbm>> -> memref<32768xi32, #tpu.memory_space<hbm>>
      %dma_start3A_26 = tpu.memref_slice %arg3[%add3A_4] : memref<2097152xi32, #tpu.memory_space<hbm>> -> memref<32768xi32, #tpu.memory_space<hbm>>
      tpu.enqueue_dma source(%dma_start3A_26 : memref<32768xi32, #tpu.memory_space<hbm>>) target(%arg5 : memref<32768xi32, #tpu.memory_space<vmem>>) target_semaphore(%run_scoped3A : memref<!tpu.dma_semaphore, #tpu.memory_space<semaphore_mem>>)
      %dma_wait3A_27 = tpu.memref_slice %arg3[%add3A_4] : memref<2097152xi32, #tpu.memory_space<hbm>> -> memref<32768xi32, #tpu.memory_space<hbm>>
      %dma_wait3A_28 = tpu.memref_slice %arg3[%add3A_4] : memref<2097152xi32, #tpu.memory_space<hbm>> -> memref<32768xi32, #tpu.memory_space<hbm>>
      tpu.wait_dma2 semaphore(%run_scoped3A : memref<!tpu.dma_semaphore, #tpu.memory_space<semaphore_mem>>) src(%dma_wait3A_28 : memref<32768xi32, #tpu.memory_space<hbm>>) dst(%arg5 : memref<32768xi32, #tpu.memory_space<vmem>>)
      tpu.yield
    }) : () -> ()
    %dma_start3A = arith.constant 0 : i32
    %dma_start3A_5 = tpu.memref_slice %arg2[%dma_start3A] : memref<2097152xf32, #tpu.memory_space<hbm>> -> memref<2097152xf32, #tpu.memory_space<hbm>>
    tpu.enqueue_indirect_dma source(%dma_start3A_5 : memref<2097152xf32, #tpu.memory_space<hbm>>) target(%arg6 : memref<32768xf32, #tpu.memory_space<vmem>>) offsets(%arg5 : memref<32768xi32, #tpu.memory_space<vmem>>) semaphore(%arg8 : memref<!tpu.dma_semaphore, #tpu.memory_space<semaphore_mem>>)
    %dma_wait3A = arith.constant 0 : i32
    %dma_wait3A_6 = tpu.memref_slice %arg2[%dma_wait3A] : memref<2097152xf32, #tpu.memory_space<hbm>> -> memref<2097152xf32, #tpu.memory_space<hbm>>
    tpu.wait_indirect_dma semaphore(%arg8 : memref<!tpu.dma_semaphore, #tpu.memory_space<semaphore_mem>>) src(%dma_wait3A_6 : memref<2097152xf32, #tpu.memory_space<hbm>>) dst(%arg6 : memref<32768xf32, #tpu.memory_space<vmem>>)
    %add3A_7 = arith.constant 0 : i32
    %add3A_8 = arith.addi %mul3A_2, %add3A_7 : i32
    %dma_start3A_9 = tpu.memref_slice %arg4[%add3A_8] : memref<2097152xf32, #tpu.memory_space<hbm>> -> memref<32768xf32, #tpu.memory_space<hbm>>
    %dma_start3A_10 = tpu.memref_slice %arg4[%add3A_8] : memref<2097152xf32, #tpu.memory_space<hbm>> -> memref<32768xf32, #tpu.memory_space<hbm>>
    tpu.enqueue_dma source(%arg6 : memref<32768xf32, #tpu.memory_space<vmem>>) target(%dma_start3A_10 : memref<32768xf32, #tpu.memory_space<hbm>>) target_semaphore(%arg9 : memref<!tpu.dma_semaphore, #tpu.memory_space<semaphore_mem>>)
    %add3A_11 = arith.constant 32768 : i32
    %add3A_12 = arith.addi %mul3A_2, %add3A_11 : i32
    "tpu.region"() ({
      %run_scoped3A = tpu.sem_alloc : memref<!tpu.dma_semaphore, #tpu.memory_space<semaphore_mem>>
      %dma_start3A_25 = tpu.memref_slice %arg3[%add3A_12] : memref<2097152xi32, #tpu.memory_space<hbm>> -> memref<32768xi32, #tpu.memory_space<hbm>>
      %dma_start3A_26 = tpu.memref_slice %arg3[%add3A_12] : memref<2097152xi32, #tpu.memory_space<hbm>> -> memref<32768xi32, #tpu.memory_space<hbm>>
      tpu.enqueue_dma source(%dma_start3A_26 : memref<32768xi32, #tpu.memory_space<hbm>>) target(%arg5 : memref<32768xi32, #tpu.memory_space<vmem>>) target_semaphore(%run_scoped3A : memref<!tpu.dma_semaphore, #tpu.memory_space<semaphore_mem>>)
      %dma_wait3A_27 = tpu.memref_slice %arg3[%add3A_12] : memref<2097152xi32, #tpu.memory_space<hbm>> -> memref<32768xi32, #tpu.memory_space<hbm>>
      %dma_wait3A_28 = tpu.memref_slice %arg3[%add3A_12] : memref<2097152xi32, #tpu.memory_space<hbm>> -> memref<32768xi32, #tpu.memory_space<hbm>>
      tpu.wait_dma2 semaphore(%run_scoped3A : memref<!tpu.dma_semaphore, #tpu.memory_space<semaphore_mem>>) src(%dma_wait3A_28 : memref<32768xi32, #tpu.memory_space<hbm>>) dst(%arg5 : memref<32768xi32, #tpu.memory_space<vmem>>)
      tpu.yield
    }) : () -> ()
    %dma_start3A_13 = arith.constant 0 : i32
    %dma_start3A_14 = tpu.memref_slice %arg2[%dma_start3A_13] : memref<2097152xf32, #tpu.memory_space<hbm>> -> memref<2097152xf32, #tpu.memory_space<hbm>>
    tpu.enqueue_indirect_dma source(%dma_start3A_14 : memref<2097152xf32, #tpu.memory_space<hbm>>) target(%arg7 : memref<32768xf32, #tpu.memory_space<vmem>>) offsets(%arg5 : memref<32768xi32, #tpu.memory_space<vmem>>) semaphore(%arg8 : memref<!tpu.dma_semaphore, #tpu.memory_space<semaphore_mem>>)
    %dma_wait3A_15 = arith.constant 0 : i32
    %dma_wait3A_16 = tpu.memref_slice %arg2[%dma_wait3A_15] : memref<2097152xf32, #tpu.memory_space<hbm>> -> memref<2097152xf32, #tpu.memory_space<hbm>>
    tpu.wait_indirect_dma semaphore(%arg8 : memref<!tpu.dma_semaphore, #tpu.memory_space<semaphore_mem>>) src(%dma_wait3A_16 : memref<2097152xf32, #tpu.memory_space<hbm>>) dst(%arg7 : memref<32768xf32, #tpu.memory_space<vmem>>)
    %add3A_17 = arith.constant 32768 : i32
    %add3A_18 = arith.addi %mul3A_2, %add3A_17 : i32
    %dma_start3A_19 = tpu.memref_slice %arg4[%add3A_18] : memref<2097152xf32, #tpu.memory_space<hbm>> -> memref<32768xf32, #tpu.memory_space<hbm>>
    %dma_start3A_20 = tpu.memref_slice %arg4[%add3A_18] : memref<2097152xf32, #tpu.memory_space<hbm>> -> memref<32768xf32, #tpu.memory_space<hbm>>
    tpu.enqueue_dma source(%arg7 : memref<32768xf32, #tpu.memory_space<vmem>>) target(%dma_start3A_20 : memref<32768xf32, #tpu.memory_space<hbm>>) target_semaphore(%arg9 : memref<!tpu.dma_semaphore, #tpu.memory_space<semaphore_mem>>)
    %dma_wait3A_21 = tpu.memref_slice %arg4[%add3A_8] : memref<2097152xf32, #tpu.memory_space<hbm>> -> memref<32768xf32, #tpu.memory_space<hbm>>
    %dma_wait3A_22 = tpu.memref_slice %arg4[%add3A_8] : memref<2097152xf32, #tpu.memory_space<hbm>> -> memref<32768xf32, #tpu.memory_space<hbm>>
    tpu.wait_dma2 semaphore(%arg9 : memref<!tpu.dma_semaphore, #tpu.memory_space<semaphore_mem>>) src(%arg6 : memref<32768xf32, #tpu.memory_space<vmem>>) dst(%dma_wait3A_22 : memref<32768xf32, #tpu.memory_space<hbm>>)
    %dma_wait3A_23 = tpu.memref_slice %arg4[%add3A_18] : memref<2097152xf32, #tpu.memory_space<hbm>> -> memref<32768xf32, #tpu.memory_space<hbm>>
    %dma_wait3A_24 = tpu.memref_slice %arg4[%add3A_18] : memref<2097152xf32, #tpu.memory_space<hbm>> -> memref<32768xf32, #tpu.memory_space<hbm>>
    tpu.wait_dma2 semaphore(%arg9 : memref<!tpu.dma_semaphore, #tpu.memory_space<semaphore_mem>>) src(%arg7 : memref<32768xf32, #tpu.memory_space<vmem>>) dst(%dma_wait3A_24 : memref<32768xf32, #tpu.memory_space<hbm>>)
    return
  }
}

#map = affine_map<(d0, d1) -> (0)>
module attributes {stable_mosaic.version = 14 : i64} {
  func.func @gather_k(%arg0: i32, %arg1: i32, %arg2: memref<2097152xf32, #tpu.memory_space<hbm>>, %arg3: memref<2097152xi32, #tpu.memory_space<hbm>>, %arg4: memref<2097152xf32, #tpu.memory_space<hbm>>, %arg5: memref<32768xi32, #tpu.memory_space<vmem>>, %arg6: memref<32768xf32, #tpu.memory_space<vmem>>, %arg7: memref<32768xf32, #tpu.memory_space<vmem>>, %arg8: memref<!tpu.dma_semaphore, #tpu.memory_space<semaphore_mem>>, %arg9: memref<!tpu.dma_semaphore, #tpu.memory_space<semaphore_mem>>) attributes {dimension_semantics = [#tpu.dimension_semantics<core_parallel>, #tpu.dimension_semantics<subcore_parallel>], iteration_bounds = array<i64: 2, 16>, scalar_prefetch = 0 : i64, scratch_operands = 5 : i64, tpu.core_type = #tpu.core_type<sc_vector_subcore>, window_params = [{transform_indices = #map}, {transform_indices = #map}, {transform_indices = #map}]} {
    %mul3A = arith.constant 2 : i32
    %mul3A_0 = arith.muli %arg1, %mul3A : i32
    %add3A = arith.addi %mul3A_0, %arg0 : i32
    %mul3A_1 = arith.constant 65536 : i32
    %mul3A_2 = arith.muli %add3A, %mul3A_1 : i32
    %add3A_3 = arith.constant 0 : i32
    %add3A_4 = arith.addi %mul3A_2, %add3A_3 : i32
    "tpu.region"() ({
      %run_scoped3A = tpu.sem_alloc : memref<!tpu.dma_semaphore, #tpu.memory_space<semaphore_mem>>
      %dma_start3A_25 = tpu.memref_slice %arg3[%add3A_4] : memref<2097152xi32, #tpu.memory_space<hbm>> -> memref<32768xi32, #tpu.memory_space<hbm>>
      %dma_start3A_26 = tpu.memref_slice %arg3[%add3A_4] : memref<2097152xi32, #tpu.memory_space<hbm>> -> memref<32768xi32, #tpu.memory_space<hbm>>
      tpu.enqueue_dma source(%dma_start3A_26 : memref<32768xi32, #tpu.memory_space<hbm>>) target(%arg5 : memref<32768xi32, #tpu.memory_space<vmem>>) target_semaphore(%run_scoped3A : memref<!tpu.dma_semaphore, #tpu.memory_space<semaphore_mem>>)
      %dma_wait3A_27 = tpu.memref_slice %arg3[%add3A_4] : memref<2097152xi32, #tpu.memory_space<hbm>> -> memref<32768xi32, #tpu.memory_space<hbm>>
      %dma_wait3A_28 = tpu.memref_slice %arg3[%add3A_4] : memref<2097152xi32, #tpu.memory_space<hbm>> -> memref<32768xi32, #tpu.memory_space<hbm>>
      tpu.wait_dma2 semaphore(%run_scoped3A : memref<!tpu.dma_semaphore, #tpu.memory_space<semaphore_mem>>) src(%dma_wait3A_28 : memref<32768xi32, #tpu.memory_space<hbm>>) dst(%arg5 : memref<32768xi32, #tpu.memory_space<vmem>>)
      tpu.yield
    }) : () -> ()
    %dma_start3A = arith.constant 0 : i32
    %dma_start3A_5 = tpu.memref_slice %arg2[%dma_start3A] : memref<2097152xf32, #tpu.memory_space<hbm>> -> memref<2097152xf32, #tpu.memory_space<hbm>>
    tpu.enqueue_indirect_dma source(%dma_start3A_5 : memref<2097152xf32, #tpu.memory_space<hbm>>) target(%arg6 : memref<32768xf32, #tpu.memory_space<vmem>>) offsets(%arg5 : memref<32768xi32, #tpu.memory_space<vmem>>) semaphore(%arg8 : memref<!tpu.dma_semaphore, #tpu.memory_space<semaphore_mem>>)
    %dma_wait3A = arith.constant 0 : i32
    %dma_wait3A_6 = tpu.memref_slice %arg2[%dma_wait3A] : memref<2097152xf32, #tpu.memory_space<hbm>> -> memref<2097152xf32, #tpu.memory_space<hbm>>
    tpu.wait_indirect_dma semaphore(%arg8 : memref<!tpu.dma_semaphore, #tpu.memory_space<semaphore_mem>>) src(%dma_wait3A_6 : memref<2097152xf32, #tpu.memory_space<hbm>>) dst(%arg6 : memref<32768xf32, #tpu.memory_space<vmem>>)
    %add3A_7 = arith.constant 0 : i32
    %add3A_8 = arith.addi %mul3A_2, %add3A_7 : i32
    %dma_start3A_9 = tpu.memref_slice %arg4[%add3A_8] : memref<2097152xf32, #tpu.memory_space<hbm>> -> memref<32768xf32, #tpu.memory_space<hbm>>
    %dma_start3A_10 = tpu.memref_slice %arg4[%add3A_8] : memref<2097152xf32, #tpu.memory_space<hbm>> -> memref<32768xf32, #tpu.memory_space<hbm>>
    tpu.enqueue_dma source(%arg6 : memref<32768xf32, #tpu.memory_space<vmem>>) target(%dma_start3A_10 : memref<32768xf32, #tpu.memory_space<hbm>>) target_semaphore(%arg9 : memref<!tpu.dma_semaphore, #tpu.memory_space<semaphore_mem>>)
    %add3A_11 = arith.constant 32768 : i32
    %add3A_12 = arith.addi %mul3A_2, %add3A_11 : i32
    "tpu.region"() ({
      %run_scoped3A = tpu.sem_alloc : memref<!tpu.dma_semaphore, #tpu.memory_space<semaphore_mem>>
      %dma_start3A_25 = tpu.memref_slice %arg3[%add3A_12] : memref<2097152xi32, #tpu.memory_space<hbm>> -> memref<32768xi32, #tpu.memory_space<hbm>>
      %dma_start3A_26 = tpu.memref_slice %arg3[%add3A_12] : memref<2097152xi32, #tpu.memory_space<hbm>> -> memref<32768xi32, #tpu.memory_space<hbm>>
      tpu.enqueue_dma source(%dma_start3A_26 : memref<32768xi32, #tpu.memory_space<hbm>>) target(%arg5 : memref<32768xi32, #tpu.memory_space<vmem>>) target_semaphore(%run_scoped3A : memref<!tpu.dma_semaphore, #tpu.memory_space<semaphore_mem>>)
      %dma_wait3A_27 = tpu.memref_slice %arg3[%add3A_12] : memref<2097152xi32, #tpu.memory_space<hbm>> -> memref<32768xi32, #tpu.memory_space<hbm>>
      %dma_wait3A_28 = tpu.memref_slice %arg3[%add3A_12] : memref<2097152xi32, #tpu.memory_space<hbm>> -> memref<32768xi32, #tpu.memory_space<hbm>>
      tpu.wait_dma2 semaphore(%run_scoped3A : memref<!tpu.dma_semaphore, #tpu.memory_space<semaphore_mem>>) src(%dma_wait3A_28 : memref<32768xi32, #tpu.memory_space<hbm>>) dst(%arg5 : memref<32768xi32, #tpu.memory_space<vmem>>)
      tpu.yield
    }) : () -> ()
    %dma_start3A_13 = arith.constant 0 : i32
    %dma_start3A_14 = tpu.memref_slice %arg2[%dma_start3A_13] : memref<2097152xf32, #tpu.memory_space<hbm>> -> memref<2097152xf32, #tpu.memory_space<hbm>>
    tpu.enqueue_indirect_dma source(%dma_start3A_14 : memref<2097152xf32, #tpu.memory_space<hbm>>) target(%arg7 : memref<32768xf32, #tpu.memory_space<vmem>>) offsets(%arg5 : memref<32768xi32, #tpu.memory_space<vmem>>) semaphore(%arg8 : memref<!tpu.dma_semaphore, #tpu.memory_space<semaphore_mem>>)
    %dma_wait3A_15 = arith.constant 0 : i32
    %dma_wait3A_16 = tpu.memref_slice %arg2[%dma_wait3A_15] : memref<2097152xf32, #tpu.memory_space<hbm>> -> memref<2097152xf32, #tpu.memory_space<hbm>>
    tpu.wait_indirect_dma semaphore(%arg8 : memref<!tpu.dma_semaphore, #tpu.memory_space<semaphore_mem>>) src(%dma_wait3A_16 : memref<2097152xf32, #tpu.memory_space<hbm>>) dst(%arg7 : memref<32768xf32, #tpu.memory_space<vmem>>)
    %add3A_17 = arith.constant 32768 : i32
    %add3A_18 = arith.addi %mul3A_2, %add3A_17 : i32
    %dma_start3A_19 = tpu.memref_slice %arg4[%add3A_18] : memref<2097152xf32, #tpu.memory_space<hbm>> -> memref<32768xf32, #tpu.memory_space<hbm>>
    %dma_start3A_20 = tpu.memref_slice %arg4[%add3A_18] : memref<2097152xf32, #tpu.memory_space<hbm>> -> memref<32768xf32, #tpu.memory_space<hbm>>
    tpu.enqueue_dma source(%arg7 : memref<32768xf32, #tpu.memory_space<vmem>>) target(%dma_start3A_20 : memref<32768xf32, #tpu.memory_space<hbm>>) target_semaphore(%arg9 : memref<!tpu.dma_semaphore, #tpu.memory_space<semaphore_mem>>)
    %dma_wait3A_21 = tpu.memref_slice %arg4[%add3A_8] : memref<2097152xf32, #tpu.memory_space<hbm>> -> memref<32768xf32, #tpu.memory_space<hbm>>
    %dma_wait3A_22 = tpu.memref_slice %arg4[%add3A_8] : memref<2097152xf32, #tpu.memory_space<hbm>> -> memref<32768xf32, #tpu.memory_space<hbm>>
    tpu.wait_dma2 semaphore(%arg9 : memref<!tpu.dma_semaphore, #tpu.memory_space<semaphore_mem>>) src(%arg6 : memref<32768xf32, #tpu.memory_space<vmem>>) dst(%dma_wait3A_22 : memref<32768xf32, #tpu.memory_space<hbm>>)
    %dma_wait3A_23 = tpu.memref_slice %arg4[%add3A_18] : memref<2097152xf32, #tpu.memory_space<hbm>> -> memref<32768xf32, #tpu.memory_space<hbm>>
    %dma_wait3A_24 = tpu.memref_slice %arg4[%add3A_18] : memref<2097152xf32, #tpu.memory_space<hbm>> -> memref<32768xf32, #tpu.memory_space<hbm>>
    tpu.wait_dma2 semaphore(%arg9 : memref<!tpu.dma_semaphore, #tpu.memory_space<semaphore_mem>>) src(%arg7 : memref<32768xf32, #tpu.memory_space<vmem>>) dst(%dma_wait3A_24 : memref<32768xf32, #tpu.memory_space<hbm>>)
    return
  }
}

#map = affine_map<(d0, d1) -> (0)>
module attributes {stable_mosaic.version = 14 : i64} {
  func.func @gather_k(%arg0: i32, %arg1: i32, %arg2: memref<2097152xf32, #tpu.memory_space<hbm>>, %arg3: memref<2097152xi32, #tpu.memory_space<hbm>>, %arg4: memref<2097152xf32, #tpu.memory_space<hbm>>, %arg5: memref<32768xi32, #tpu.memory_space<vmem>>, %arg6: memref<32768xf32, #tpu.memory_space<vmem>>, %arg7: memref<32768xf32, #tpu.memory_space<vmem>>, %arg8: memref<!tpu.dma_semaphore, #tpu.memory_space<semaphore_mem>>, %arg9: memref<!tpu.dma_semaphore, #tpu.memory_space<semaphore_mem>>) attributes {dimension_semantics = [#tpu.dimension_semantics<core_parallel>, #tpu.dimension_semantics<subcore_parallel>], iteration_bounds = array<i64: 2, 16>, scalar_prefetch = 0 : i64, scratch_operands = 5 : i64, tpu.core_type = #tpu.core_type<sc_vector_subcore>, window_params = [{transform_indices = #map}, {transform_indices = #map}, {transform_indices = #map}]} {
    %mul3A = arith.constant 2 : i32
    %mul3A_0 = arith.muli %arg1, %mul3A : i32
    %add3A = arith.addi %mul3A_0, %arg0 : i32
    %mul3A_1 = arith.constant 65536 : i32
    %mul3A_2 = arith.muli %add3A, %mul3A_1 : i32
    %add3A_3 = arith.constant 0 : i32
    %add3A_4 = arith.addi %mul3A_2, %add3A_3 : i32
    "tpu.region"() ({
      %run_scoped3A = tpu.sem_alloc : memref<!tpu.dma_semaphore, #tpu.memory_space<semaphore_mem>>
      %dma_start3A_25 = tpu.memref_slice %arg3[%add3A_4] : memref<2097152xi32, #tpu.memory_space<hbm>> -> memref<32768xi32, #tpu.memory_space<hbm>>
      %dma_start3A_26 = tpu.memref_slice %arg3[%add3A_4] : memref<2097152xi32, #tpu.memory_space<hbm>> -> memref<32768xi32, #tpu.memory_space<hbm>>
      tpu.enqueue_dma source(%dma_start3A_26 : memref<32768xi32, #tpu.memory_space<hbm>>) target(%arg5 : memref<32768xi32, #tpu.memory_space<vmem>>) target_semaphore(%run_scoped3A : memref<!tpu.dma_semaphore, #tpu.memory_space<semaphore_mem>>)
      %dma_wait3A_27 = tpu.memref_slice %arg3[%add3A_4] : memref<2097152xi32, #tpu.memory_space<hbm>> -> memref<32768xi32, #tpu.memory_space<hbm>>
      %dma_wait3A_28 = tpu.memref_slice %arg3[%add3A_4] : memref<2097152xi32, #tpu.memory_space<hbm>> -> memref<32768xi32, #tpu.memory_space<hbm>>
      tpu.wait_dma2 semaphore(%run_scoped3A : memref<!tpu.dma_semaphore, #tpu.memory_space<semaphore_mem>>) src(%dma_wait3A_28 : memref<32768xi32, #tpu.memory_space<hbm>>) dst(%arg5 : memref<32768xi32, #tpu.memory_space<vmem>>)
      tpu.yield
    }) : () -> ()
    %dma_start3A = arith.constant 0 : i32
    %dma_start3A_5 = tpu.memref_slice %arg2[%dma_start3A] : memref<2097152xf32, #tpu.memory_space<hbm>> -> memref<2097152xf32, #tpu.memory_space<hbm>>
    tpu.enqueue_indirect_dma source(%dma_start3A_5 : memref<2097152xf32, #tpu.memory_space<hbm>>) target(%arg6 : memref<32768xf32, #tpu.memory_space<vmem>>) offsets(%arg5 : memref<32768xi32, #tpu.memory_space<vmem>>) semaphore(%arg8 : memref<!tpu.dma_semaphore, #tpu.memory_space<semaphore_mem>>)
    %dma_wait3A = arith.constant 0 : i32
    %dma_wait3A_6 = tpu.memref_slice %arg2[%dma_wait3A] : memref<2097152xf32, #tpu.memory_space<hbm>> -> memref<2097152xf32, #tpu.memory_space<hbm>>
    tpu.wait_indirect_dma semaphore(%arg8 : memref<!tpu.dma_semaphore, #tpu.memory_space<semaphore_mem>>) src(%dma_wait3A_6 : memref<2097152xf32, #tpu.memory_space<hbm>>) dst(%arg6 : memref<32768xf32, #tpu.memory_space<vmem>>)
    %add3A_7 = arith.constant 0 : i32
    %add3A_8 = arith.addi %mul3A_2, %add3A_7 : i32
    %dma_start3A_9 = tpu.memref_slice %arg4[%add3A_8] : memref<2097152xf32, #tpu.memory_space<hbm>> -> memref<32768xf32, #tpu.memory_space<hbm>>
    %dma_start3A_10 = tpu.memref_slice %arg4[%add3A_8] : memref<2097152xf32, #tpu.memory_space<hbm>> -> memref<32768xf32, #tpu.memory_space<hbm>>
    tpu.enqueue_dma source(%arg6 : memref<32768xf32, #tpu.memory_space<vmem>>) target(%dma_start3A_10 : memref<32768xf32, #tpu.memory_space<hbm>>) target_semaphore(%arg9 : memref<!tpu.dma_semaphore, #tpu.memory_space<semaphore_mem>>)
    %add3A_11 = arith.constant 32768 : i32
    %add3A_12 = arith.addi %mul3A_2, %add3A_11 : i32
    "tpu.region"() ({
      %run_scoped3A = tpu.sem_alloc : memref<!tpu.dma_semaphore, #tpu.memory_space<semaphore_mem>>
      %dma_start3A_25 = tpu.memref_slice %arg3[%add3A_12] : memref<2097152xi32, #tpu.memory_space<hbm>> -> memref<32768xi32, #tpu.memory_space<hbm>>
      %dma_start3A_26 = tpu.memref_slice %arg3[%add3A_12] : memref<2097152xi32, #tpu.memory_space<hbm>> -> memref<32768xi32, #tpu.memory_space<hbm>>
      tpu.enqueue_dma source(%dma_start3A_26 : memref<32768xi32, #tpu.memory_space<hbm>>) target(%arg5 : memref<32768xi32, #tpu.memory_space<vmem>>) target_semaphore(%run_scoped3A : memref<!tpu.dma_semaphore, #tpu.memory_space<semaphore_mem>>)
      %dma_wait3A_27 = tpu.memref_slice %arg3[%add3A_12] : memref<2097152xi32, #tpu.memory_space<hbm>> -> memref<32768xi32, #tpu.memory_space<hbm>>
      %dma_wait3A_28 = tpu.memref_slice %arg3[%add3A_12] : memref<2097152xi32, #tpu.memory_space<hbm>> -> memref<32768xi32, #tpu.memory_space<hbm>>
      tpu.wait_dma2 semaphore(%run_scoped3A : memref<!tpu.dma_semaphore, #tpu.memory_space<semaphore_mem>>) src(%dma_wait3A_28 : memref<32768xi32, #tpu.memory_space<hbm>>) dst(%arg5 : memref<32768xi32, #tpu.memory_space<vmem>>)
      tpu.yield
    }) : () -> ()
    %dma_start3A_13 = arith.constant 0 : i32
    %dma_start3A_14 = tpu.memref_slice %arg2[%dma_start3A_13] : memref<2097152xf32, #tpu.memory_space<hbm>> -> memref<2097152xf32, #tpu.memory_space<hbm>>
    tpu.enqueue_indirect_dma source(%dma_start3A_14 : memref<2097152xf32, #tpu.memory_space<hbm>>) target(%arg7 : memref<32768xf32, #tpu.memory_space<vmem>>) offsets(%arg5 : memref<32768xi32, #tpu.memory_space<vmem>>) semaphore(%arg8 : memref<!tpu.dma_semaphore, #tpu.memory_space<semaphore_mem>>)
    %dma_wait3A_15 = arith.constant 0 : i32
    %dma_wait3A_16 = tpu.memref_slice %arg2[%dma_wait3A_15] : memref<2097152xf32, #tpu.memory_space<hbm>> -> memref<2097152xf32, #tpu.memory_space<hbm>>
    tpu.wait_indirect_dma semaphore(%arg8 : memref<!tpu.dma_semaphore, #tpu.memory_space<semaphore_mem>>) src(%dma_wait3A_16 : memref<2097152xf32, #tpu.memory_space<hbm>>) dst(%arg7 : memref<32768xf32, #tpu.memory_space<vmem>>)
    %add3A_17 = arith.constant 32768 : i32
    %add3A_18 = arith.addi %mul3A_2, %add3A_17 : i32
    %dma_start3A_19 = tpu.memref_slice %arg4[%add3A_18] : memref<2097152xf32, #tpu.memory_space<hbm>> -> memref<32768xf32, #tpu.memory_space<hbm>>
    %dma_start3A_20 = tpu.memref_slice %arg4[%add3A_18] : memref<2097152xf32, #tpu.memory_space<hbm>> -> memref<32768xf32, #tpu.memory_space<hbm>>
    tpu.enqueue_dma source(%arg7 : memref<32768xf32, #tpu.memory_space<vmem>>) target(%dma_start3A_20 : memref<32768xf32, #tpu.memory_space<hbm>>) target_semaphore(%arg9 : memref<!tpu.dma_semaphore, #tpu.memory_space<semaphore_mem>>)
    %dma_wait3A_21 = tpu.memref_slice %arg4[%add3A_8] : memref<2097152xf32, #tpu.memory_space<hbm>> -> memref<32768xf32, #tpu.memory_space<hbm>>
    %dma_wait3A_22 = tpu.memref_slice %arg4[%add3A_8] : memref<2097152xf32, #tpu.memory_space<hbm>> -> memref<32768xf32, #tpu.memory_space<hbm>>
    tpu.wait_dma2 semaphore(%arg9 : memref<!tpu.dma_semaphore, #tpu.memory_space<semaphore_mem>>) src(%arg6 : memref<32768xf32, #tpu.memory_space<vmem>>) dst(%dma_wait3A_22 : memref<32768xf32, #tpu.memory_space<hbm>>)
    %dma_wait3A_23 = tpu.memref_slice %arg4[%add3A_18] : memref<2097152xf32, #tpu.memory_space<hbm>> -> memref<32768xf32, #tpu.memory_space<hbm>>
    %dma_wait3A_24 = tpu.memref_slice %arg4[%add3A_18] : memref<2097152xf32, #tpu.memory_space<hbm>> -> memref<32768xf32, #tpu.memory_space<hbm>>
    tpu.wait_dma2 semaphore(%arg9 : memref<!tpu.dma_semaphore, #tpu.memory_space<semaphore_mem>>) src(%arg7 : memref<32768xf32, #tpu.memory_space<vmem>>) dst(%dma_wait3A_24 : memref<32768xf32, #tpu.memory_space<hbm>>)
    return
  }
}

module attributes {stable_mosaic.version = 14 : i64} {
  func.func @_idx_body(%arg0: i32, %arg1: memref<128xf32, #tpu.memory_space<smem>>, %arg2: memref<16x8x128xf32, #tpu.memory_space<vmem>>, %arg3: memref<16x8x128xf32, #tpu.memory_space<vmem>>, %arg4: memref<16x8x128xf32, #tpu.memory_space<vmem>>, %arg5: memref<16x8x128xf32, #tpu.memory_space<vmem>>, %arg6: memref<16x8x128xf32, #tpu.memory_space<vmem>>, %arg7: memref<16x8x128xf32, #tpu.memory_space<vmem>>, %arg8: memref<128x8x128xi32, #tpu.memory_space<vmem>>) attributes {dimension_semantics = [#tpu.dimension_semantics<arbitrary>], iteration_bounds = array<i64: 16>, scalar_prefetch = 0 : i64, scratch_operands = 0 : i64, tpu.core_type = #tpu.core_type<tc>, window_params = [{transform_indices = @transform_0, window_bounds = array<i64: 128>}, {pipeline_mode = #tpu.pipeline_mode<synchronous>, transform_indices = @transform_1, window_bounds = array<i64: 16, 8, 128>}, {pipeline_mode = #tpu.pipeline_mode<synchronous>, transform_indices = @transform_2, window_bounds = array<i64: 16, 8, 128>}, {pipeline_mode = #tpu.pipeline_mode<synchronous>, transform_indices = @transform_3, window_bounds = array<i64: 16, 8, 128>}, {pipeline_mode = #tpu.pipeline_mode<synchronous>, transform_indices = @transform_4, window_bounds = array<i64: 16, 8, 128>}, {pipeline_mode = #tpu.pipeline_mode<synchronous>, transform_indices = @transform_5, window_bounds = array<i64: 16, 8, 128>}, {pipeline_mode = #tpu.pipeline_mode<synchronous>, transform_indices = @transform_6, window_bounds = array<i64: 16, 8, 128>}, {transform_indices = @transform_7, window_bounds = array<i64: 128, 8, 128>}]} {
    %get3A = arith.constant 0 : index
    %get3A_0 = arith.constant 0 : index
    %get3A_1 = arith.constant 0 : index
    %get3A_2 = vector.load %arg5[%get3A, %get3A_0, %get3A_1] : memref<16x8x128xf32, #tpu.memory_space<vmem>>, vector<16x8x128xf32>
    %get3A_3 = arith.constant 0 : index
    %get3A_4 = arith.constant 0 : index
    %get3A_5 = arith.constant 0 : index
    %get3A_6 = vector.load %arg6[%get3A_3, %get3A_4, %get3A_5] : memref<16x8x128xf32, #tpu.memory_space<vmem>>, vector<16x8x128xf32>
    %get3A_7 = arith.constant 0 : index
    %get3A_8 = arith.constant 0 : index
    %get3A_9 = arith.constant 0 : index
    %get3A_10 = vector.load %arg7[%get3A_7, %get3A_8, %get3A_9] : memref<16x8x128xf32, #tpu.memory_space<vmem>>, vector<16x8x128xf32>
    %mul3A = arith.mulf %get3A_2, %get3A_2 : vector<16x8x128xf32>
    %mul3A_11 = arith.mulf %get3A_6, %get3A_6 : vector<16x8x128xf32>
    %add3A = arith.addf %mul3A, %mul3A_11 : vector<16x8x128xf32>
    %mul3A_12 = arith.mulf %get3A_10, %get3A_10 : vector<16x8x128xf32>
    %add3A_13 = arith.addf %add3A, %mul3A_12 : vector<16x8x128xf32>
    %sqrt3A = math.sqrt %add3A_13 : vector<16x8x128xf32>
    %add3A_14 = arith.constant 9.99999993E-9 : f32
    %add3A_15 = vector.broadcast %add3A_14 : f32 to vector<16x8x128xf32>
    %add3A_16 = arith.addf %sqrt3A, %add3A_15 : vector<16x8x128xf32>
    %div3A = arith.constant 6.400000e+01 : f32
    %div3A_17 = vector.broadcast %div3A : f32 to vector<16x8x128xf32>
    %div3A_18 = arith.divf %div3A_17, %add3A_16 : vector<16x8x128xf32>
    %get3A_19 = arith.constant 0 : index
    %get3A_20 = arith.constant 0 : index
    %get3A_21 = arith.constant 0 : index
    %get3A_22 = vector.load %arg2[%get3A_19, %get3A_20, %get3A_21] : memref<16x8x128xf32, #tpu.memory_space<vmem>>, vector<16x8x128xf32>
    %mul3A_23 = arith.constant 6.400000e+01 : f32
    %mul3A_24 = vector.broadcast %mul3A_23 : f32 to vector<16x8x128xf32>
    %mul3A_25 = arith.mulf %get3A_22, %mul3A_24 : vector<16x8x128xf32>
    %add3A_26 = arith.constant 6.400000e+01 : f32
    %add3A_27 = vector.broadcast %add3A_26 : f32 to vector<16x8x128xf32>
    %add3A_28 = arith.addf %mul3A_25, %add3A_27 : vector<16x8x128xf32>
    %get3A_29 = arith.constant 0 : index
    %get3A_30 = arith.constant 0 : index
    %get3A_31 = arith.constant 0 : index
    %get3A_32 = vector.load %arg3[%get3A_29, %get3A_30, %get3A_31] : memref<16x8x128xf32, #tpu.memory_space<vmem>>, vector<16x8x128xf32>
    %mul3A_33 = arith.constant 6.400000e+01 : f32
    %mul3A_34 = vector.broadcast %mul3A_33 : f32 to vector<16x8x128xf32>
    %mul3A_35 = arith.mulf %get3A_32, %mul3A_34 : vector<16x8x128xf32>
    %add3A_36 = arith.constant 6.400000e+01 : f32
    %add3A_37 = vector.broadcast %add3A_36 : f32 to vector<16x8x128xf32>
    %add3A_38 = arith.addf %mul3A_35, %add3A_37 : vector<16x8x128xf32>
    %get3A_39 = arith.constant 0 : index
    %get3A_40 = arith.constant 0 : index
    %get3A_41 = arith.constant 0 : index
    %get3A_42 = vector.load %arg4[%get3A_39, %get3A_40, %get3A_41] : memref<16x8x128xf32, #tpu.memory_space<vmem>>, vector<16x8x128xf32>
    %mul3A_43 = arith.constant 6.400000e+01 : f32
    %mul3A_44 = vector.broadcast %mul3A_43 : f32 to vector<16x8x128xf32>
    %mul3A_45 = arith.mulf %get3A_42, %mul3A_44 : vector<16x8x128xf32>
    %add3A_46 = arith.constant 6.400000e+01 : f32
    %add3A_47 = vector.broadcast %add3A_46 : f32 to vector<16x8x128xf32>
    %add3A_48 = arith.addf %mul3A_45, %add3A_47 : vector<16x8x128xf32>
    %mul3A_49 = arith.mulf %get3A_2, %div3A_18 : vector<16x8x128xf32>
    %mul3A_50 = arith.mulf %get3A_6, %div3A_18 : vector<16x8x128xf32>
    %mul3A_51 = arith.mulf %get3A_10, %div3A_18 : vector<16x8x128xf32>
    %mul3A_52 = arith.constant 8 : i32
    %mul3A_53 = arith.muli %arg0, %mul3A_52 : i32
    %add3A_54 = arith.constant 0 : i32
    %add3A_55 = arith.addi %mul3A_53, %add3A_54 : i32
    %get3A_56 = arith.index_cast %add3A_55 : i32 to index
    %get3A_57 = memref.load %arg1[%get3A_56] : memref<128xf32, #tpu.memory_space<smem>>
    %mul3A_58 = vector.broadcast %get3A_57 : f32 to vector<16x8x128xf32>
    %mul3A_59 = arith.mulf %mul3A_49, %mul3A_58 : vector<16x8x128xf32>
    %add3A_60 = arith.addf %add3A_28, %mul3A_59 : vector<16x8x128xf32>
    %floor3A = math.floor %add3A_60 : vector<16x8x128xf32>
    %convert_element_type3A = arith.fptosi %floor3A : vector<16x8x128xf32> to vector<16x8x128xi32>
    %mul3A_61 = vector.broadcast %get3A_57 : f32 to vector<16x8x128xf32>
    %mul3A_62 = arith.mulf %mul3A_50, %mul3A_61 : vector<16x8x128xf32>
    %add3A_63 = arith.addf %add3A_38, %mul3A_62 : vector<16x8x128xf32>
    %floor3A_64 = math.floor %add3A_63 : vector<16x8x128xf32>
    %convert_element_type3A_65 = arith.fptosi %floor3A_64 : vector<16x8x128xf32> to vector<16x8x128xi32>
    %mul3A_66 = vector.broadcast %get3A_57 : f32 to vector<16x8x128xf32>
    %mul3A_67 = arith.mulf %mul3A_51, %mul3A_66 : vector<16x8x128xf32>
    %add3A_68 = arith.addf %add3A_48, %mul3A_67 : vector<16x8x128xf32>
    %floor3A_69 = math.floor %add3A_68 : vector<16x8x128xf32>
    %convert_element_type3A_70 = arith.fptosi %floor3A_69 : vector<16x8x128xf32> to vector<16x8x128xi32>
    %shift_left3A = arith.constant 14 : i32
    %shift_left3A_71 = vector.broadcast %shift_left3A : i32 to vector<16x8x128xi32>
    %shift_left3A_72 = arith.shli %convert_element_type3A, %shift_left3A_71 : vector<16x8x128xi32>
    %shift_left3A_73 = arith.constant 7 : i32
    %shift_left3A_74 = vector.broadcast %shift_left3A_73 : i32 to vector<16x8x128xi32>
    %shift_left3A_75 = arith.shli %convert_element_type3A_65, %shift_left3A_74 : vector<16x8x128xi32>
    %add3A_76 = arith.addi %shift_left3A_72, %shift_left3A_75 : vector<16x8x128xi32>
    %add3A_77 = arith.addi %add3A_76, %convert_element_type3A_70 : vector<16x8x128xi32>
    %and3A = arith.constant 2097151 : i32
    %and3A_78 = vector.broadcast %and3A : i32 to vector<16x8x128xi32>
    %and3A_79 = arith.andi %add3A_77, %and3A_78 : vector<16x8x128xi32>
    %swap3A = arith.constant 0 : index
    %swap3A_80 = arith.constant 0 : index
    %swap3A_81 = arith.constant 0 : index
    %swap3A_82 = vector.load %arg8[%swap3A, %swap3A_80, %swap3A_81] : memref<128x8x128xi32, #tpu.memory_space<vmem>>, vector<16x8x128xi32>
    tpu.vector_store %arg8[%swap3A, %swap3A_80, %swap3A_81], %and3A_79 {strides = array<i32>} : memref<128x8x128xi32, #tpu.memory_space<vmem>>, vector<16x8x128xi32>,
    %mul3A_83 = arith.constant 8 : i32
    %mul3A_84 = arith.muli %arg0, %mul3A_83 : i32
    %add3A_85 = arith.constant 1 : i32
    %add3A_86 = arith.addi %mul3A_84, %add3A_85 : i32
    %get3A_87 = arith.index_cast %add3A_86 : i32 to index
    %get3A_88 = memref.load %arg1[%get3A_87] : memref<128xf32, #tpu.memory_space<smem>>
    %mul3A_89 = vector.broadcast %get3A_88 : f32 to vector<16x8x128xf32>
    %mul3A_90 = arith.mulf %mul3A_49, %mul3A_89 : vector<16x8x128xf32>
    %add3A_91 = arith.addf %add3A_28, %mul3A_90 : vector<16x8x128xf32>
    %floor3A_92 = math.floor %add3A_91 : vector<16x8x128xf32>
    %convert_element_type3A_93 = arith.fptosi %floor3A_92 : vector<16x8x128xf32> to vector<16x8x128xi32>
    %mul3A_94 = vector.broadcast %get3A_88 : f32 to vector<16x8x128xf32>
    %mul3A_95 = arith.mulf %mul3A_50, %mul3A_94 : vector<16x8x128xf32>
    %add3A_96 = arith.addf %add3A_38, %mul3A_95 : vector<16x8x128xf32>
    %floor3A_97 = math.floor %add3A_96 : vector<16x8x128xf32>
    %convert_element_type3A_98 = arith.fptosi %floor3A_97 : vector<16x8x128xf32> to vector<16x8x128xi32>
    %mul3A_99 = vector.broadcast %get3A_88 : f32 to vector<16x8x128xf32>
    %mul3A_100 = arith.mulf %mul3A_51, %mul3A_99 : vector<16x8x128xf32>
    %add3A_101 = arith.addf %add3A_48, %mul3A_100 : vector<16x8x128xf32>
    %floor3A_102 = math.floor %add3A_101 : vector<16x8x128xf32>
    %convert_element_type3A_103 = arith.fptosi %floor3A_102 : vector<16x8x128xf32> to vector<16x8x128xi32>
    %shift_left3A_104 = arith.constant 14 : i32
    %shift_left3A_105 = vector.broadcast %shift_left3A_104 : i32 to vector<16x8x128xi32>
    %shift_left3A_106 = arith.shli %convert_element_type3A_93, %shift_left3A_105 : vector<16x8x128xi32>
    %shift_left3A_107 = arith.constant 7 : i32
    %shift_left3A_108 = vector.broadcast %shift_left3A_107 : i32 to vector<16x8x128xi32>
    %shift_left3A_109 = arith.shli %convert_element_type3A_98, %shift_left3A_108 : vector<16x8x128xi32>
    %add3A_110 = arith.addi %shift_left3A_106, %shift_left3A_109 : vector<16x8x128xi32>
    %add3A_111 = arith.addi %add3A_110, %convert_element_type3A_103 : vector<16x8x128xi32>
    %and3A_112 = arith.constant 2097151 : i32
    %and3A_113 = vector.broadcast %and3A_112 : i32 to vector<16x8x128xi32>
    %and3A_114 = arith.andi %add3A_111, %and3A_113 : vector<16x8x128xi32>
    %swap3A_115 = arith.constant 16 : index
    %swap3A_116 = arith.constant 0 : index
    %swap3A_117 = arith.constant 0 : index
    %swap3A_118 = vector.load %arg8[%swap3A_115, %swap3A_116, %swap3A_117] : memref<128x8x128xi32, #tpu.memory_space<vmem>>, vector<16x8x128xi32>
    tpu.vector_store %arg8[%swap3A_115, %swap3A_116, %swap3A_117], %and3A_114 {strides = array<i32>} : memref<128x8x128xi32, #tpu.memory_space<vmem>>, vector<16x8x128xi32>,
    %mul3A_119 = arith.constant 8 : i32
    %mul3A_120 = arith.muli %arg0, %mul3A_119 : i32
    %add3A_121 = arith.constant 2 : i32
    %add3A_122 = arith.addi %mul3A_120, %add3A_121 : i32
    %get3A_123 = arith.index_cast %add3A_122 : i32 to index
    %get3A_124 = memref.load %arg1[%get3A_123] : memref<128xf32, #tpu.memory_space<smem>>
    %mul3A_125 = vector.broadcast %get3A_124 : f32 to vector<16x8x128xf32>
    %mul3A_126 = arith.mulf %mul3A_49, %mul3A_125 : vector<16x8x128xf32>
    %add3A_127 = arith.addf %add3A_28, %mul3A_126 : vector<16x8x128xf32>
    %floor3A_128 = math.floor %add3A_127 : vector<16x8x128xf32>
    %convert_element_type3A_129 = arith.fptosi %floor3A_128 : vector<16x8x128xf32> to vector<16x8x128xi32>
    %mul3A_130 = vector.broadcast %get3A_124 : f32 to vector<16x8x128xf32>
    %mul3A_131 = arith.mulf %mul3A_50, %mul3A_130 : vector<16x8x128xf32>
    %add3A_132 = arith.addf %add3A_38, %mul3A_131 : vector<16x8x128xf32>
    %floor3A_133 = math.floor %add3A_132 : vector<16x8x128xf32>
    %convert_element_type3A_134 = arith.fptosi %floor3A_133 : vector<16x8x128xf32> to vector<16x8x128xi32>
    %mul3A_135 = vector.broadcast %get3A_124 : f32 to vector<16x8x128xf32>
    %mul3A_136 = arith.mulf %mul3A_51, %mul3A_135 : vector<16x8x128xf32>
    %add3A_137 = arith.addf %add3A_48, %mul3A_136 : vector<16x8x128xf32>
    %floor3A_138 = math.floor %add3A_137 : vector<16x8x128xf32>
    %convert_element_type3A_139 = arith.fptosi %floor3A_138 : vector<16x8x128xf32> to vector<16x8x128xi32>
    %shift_left3A_140 = arith.constant 14 : i32
    %shift_left3A_141 = vector.broadcast %shift_left3A_140 : i32 to vector<16x8x128xi32>
    %shift_left3A_142 = arith.shli %convert_element_type3A_129, %shift_left3A_141 : vector<16x8x128xi32>
    %shift_left3A_143 = arith.constant 7 : i32
    %shift_left3A_144 = vector.broadcast %shift_left3A_143 : i32 to vector<16x8x128xi32>
    %shift_left3A_145 = arith.shli %convert_element_type3A_134, %shift_left3A_144 : vector<16x8x128xi32>
    %add3A_146 = arith.addi %shift_left3A_142, %shift_left3A_145 : vector<16x8x128xi32>
    %add3A_147 = arith.addi %add3A_146, %convert_element_type3A_139 : vector<16x8x128xi32>
    %and3A_148 = arith.constant 2097151 : i32
    %and3A_149 = vector.broadcast %and3A_148 : i32 to vector<16x8x128xi32>
    %and3A_150 = arith.andi %add3A_147, %and3A_149 : vector<16x8x128xi32>
    %swap3A_151 = arith.constant 32 : index
    %swap3A_152 = arith.constant 0 : index
    %swap3A_153 = arith.constant 0 : index
    %swap3A_154 = vector.load %arg8[%swap3A_151, %swap3A_152, %swap3A_153] : memref<128x8x128xi32, #tpu.memory_space<vmem>>, vector<16x8x128xi32>
    tpu.vector_store %arg8[%swap3A_151, %swap3A_152, %swap3A_153], %and3A_150 {strides = array<i32>} : memref<128x8x128xi32, #tpu.memory_space<vmem>>, vector<16x8x128xi32>,
    %mul3A_155 = arith.constant 8 : i32
    %mul3A_156 = arith.muli %arg0, %mul3A_155 : i32
    %add3A_157 = arith.constant 3 : i32
    %add3A_158 = arith.addi %mul3A_156, %add3A_157 : i32
    %get3A_159 = arith.index_cast %add3A_158 : i32 to index
    %get3A_160 = memref.load %arg1[%get3A_159] : memref<128xf32, #tpu.memory_space<smem>>
    %mul3A_161 = vector.broadcast %get3A_160 : f32 to vector<16x8x128xf32>
    %mul3A_162 = arith.mulf %mul3A_49, %mul3A_161 : vector<16x8x128xf32>
    %add3A_163 = arith.addf %add3A_28, %mul3A_162 : vector<16x8x128xf32>
    %floor3A_164 = math.floor %add3A_163 : vector<16x8x128xf32>
    %convert_element_type3A_165 = arith.fptosi %floor3A_164 : vector<16x8x128xf32> to vector<16x8x128xi32>
    %mul3A_166 = vector.broadcast %get3A_160 : f32 to vector<16x8x128xf32>
    %mul3A_167 = arith.mulf %mul3A_50, %mul3A_166 : vector<16x8x128xf32>
    %add3A_168 = arith.addf %add3A_38, %mul3A_167 : vector<16x8x128xf32>
    %floor3A_169 = math.floor %add3A_168 : vector<16x8x128xf32>
    %convert_element_type3A_170 = arith.fptosi %floor3A_169 : vector<16x8x128xf32> to vector<16x8x128xi32>
    %mul3A_171 = vector.broadcast %get3A_160 : f32 to vector<16x8x128xf32>
    %mul3A_172 = arith.mulf %mul3A_51, %mul3A_171 : vector<16x8x128xf32>
    %add3A_173 = arith.addf %add3A_48, %mul3A_172 : vector<16x8x128xf32>
    %floor3A_174 = math.floor %add3A_173 : vector<16x8x128xf32>
    %convert_element_type3A_175 = arith.fptosi %floor3A_174 : vector<16x8x128xf32> to vector<16x8x128xi32>
    %shift_left3A_176 = arith.constant 14 : i32
    %shift_left3A_177 = vector.broadcast %shift_left3A_176 : i32 to vector<16x8x128xi32>
    %shift_left3A_178 = arith.shli %convert_element_type3A_165, %shift_left3A_177 : vector<16x8x128xi32>
    %shift_left3A_179 = arith.constant 7 : i32
    %shift_left3A_180 = vector.broadcast %shift_left3A_179 : i32 to vector<16x8x128xi32>
    %shift_left3A_181 = arith.shli %convert_element_type3A_170, %shift_left3A_180 : vector<16x8x128xi32>
    %add3A_182 = arith.addi %shift_left3A_178, %shift_left3A_181 : vector<16x8x128xi32>
    %add3A_183 = arith.addi %add3A_182, %convert_element_type3A_175 : vector<16x8x128xi32>
    %and3A_184 = arith.constant 2097151 : i32
    %and3A_185 = vector.broadcast %and3A_184 : i32 to vector<16x8x128xi32>
    %and3A_186 = arith.andi %add3A_183, %and3A_185 : vector<16x8x128xi32>
    %swap3A_187 = arith.constant 48 : index
    %swap3A_188 = arith.constant 0 : index
    %swap3A_189 = arith.constant 0 : index
    %swap3A_190 = vector.load %arg8[%swap3A_187, %swap3A_188, %swap3A_189] : memref<128x8x128xi32, #tpu.memory_space<vmem>>, vector<16x8x128xi32>
    tpu.vector_store %arg8[%swap3A_187, %swap3A_188, %swap3A_189], %and3A_186 {strides = array<i32>} : memref<128x8x128xi32, #tpu.memory_space<vmem>>, vector<16x8x128xi32>,
    %mul3A_191 = arith.constant 8 : i32
    %mul3A_192 = arith.muli %arg0, %mul3A_191 : i32
    %add3A_193 = arith.constant 4 : i32
    %add3A_194 = arith.addi %mul3A_192, %add3A_193 : i32
    %get3A_195 = arith.index_cast %add3A_194 : i32 to index
    %get3A_196 = memref.load %arg1[%get3A_195] : memref<128xf32, #tpu.memory_space<smem>>
    %mul3A_197 = vector.broadcast %get3A_196 : f32 to vector<16x8x128xf32>
    %mul3A_198 = arith.mulf %mul3A_49, %mul3A_197 : vector<16x8x128xf32>
    %add3A_199 = arith.addf %add3A_28, %mul3A_198 : vector<16x8x128xf32>
    %floor3A_200 = math.floor %add3A_199 : vector<16x8x128xf32>
    %convert_element_type3A_201 = arith.fptosi %floor3A_200 : vector<16x8x128xf32> to vector<16x8x128xi32>
    %mul3A_202 = vector.broadcast %get3A_196 : f32 to vector<16x8x128xf32>
    %mul3A_203 = arith.mulf %mul3A_50, %mul3A_202 : vector<16x8x128xf32>
    %add3A_204 = arith.addf %add3A_38, %mul3A_203 : vector<16x8x128xf32>
    %floor3A_205 = math.floor %add3A_204 : vector<16x8x128xf32>
    %convert_element_type3A_206 = arith.fptosi %floor3A_205 : vector<16x8x128xf32> to vector<16x8x128xi32>
    %mul3A_207 = vector.broadcast %get3A_196 : f32 to vector<16x8x128xf32>
    %mul3A_208 = arith.mulf %mul3A_51, %mul3A_207 : vector<16x8x128xf32>
    %add3A_209 = arith.addf %add3A_48, %mul3A_208 : vector<16x8x128xf32>
    %floor3A_210 = math.floor %add3A_209 : vector<16x8x128xf32>
    %convert_element_type3A_211 = arith.fptosi %floor3A_210 : vector<16x8x128xf32> to vector<16x8x128xi32>
    %shift_left3A_212 = arith.constant 14 : i32
    %shift_left3A_213 = vector.broadcast %shift_left3A_212 : i32 to vector<16x8x128xi32>
    %shift_left3A_214 = arith.shli %convert_element_type3A_201, %shift_left3A_213 : vector<16x8x128xi32>
    %shift_left3A_215 = arith.constant 7 : i32
    %shift_left3A_216 = vector.broadcast %shift_left3A_215 : i32 to vector<16x8x128xi32>
    %shift_left3A_217 = arith.shli %convert_element_type3A_206, %shift_left3A_216 : vector<16x8x128xi32>
    %add3A_218 = arith.addi %shift_left3A_214, %shift_left3A_217 : vector<16x8x128xi32>
    %add3A_219 = arith.addi %add3A_218, %convert_element_type3A_211 : vector<16x8x128xi32>
    %and3A_220 = arith.constant 2097151 : i32
    %and3A_221 = vector.broadcast %and3A_220 : i32 to vector<16x8x128xi32>
    %and3A_222 = arith.andi %add3A_219, %and3A_221 : vector<16x8x128xi32>
    %swap3A_223 = arith.constant 64 : index
    %swap3A_224 = arith.constant 0 : index
    %swap3A_225 = arith.constant 0 : index
    %swap3A_226 = vector.load %arg8[%swap3A_223, %swap3A_224, %swap3A_225] : memref<128x8x128xi32, #tpu.memory_space<vmem>>, vector<16x8x128xi32>
    tpu.vector_store %arg8[%swap3A_223, %swap3A_224, %swap3A_225], %and3A_222 {strides = array<i32>} : memref<128x8x128xi32, #tpu.memory_space<vmem>>, vector<16x8x128xi32>,
    %mul3A_227 = arith.constant 8 : i32
    %mul3A_228 = arith.muli %arg0, %mul3A_227 : i32
    %add3A_229 = arith.constant 5 : i32
    %add3A_230 = arith.addi %mul3A_228, %add3A_229 : i32
    %get3A_231 = arith.index_cast %add3A_230 : i32 to index
    %get3A_232 = memref.load %arg1[%get3A_231] : memref<128xf32, #tpu.memory_space<smem>>
    %mul3A_233 = vector.broadcast %get3A_232 : f32 to vector<16x8x128xf32>
    %mul3A_234 = arith.mulf %mul3A_49, %mul3A_233 : vector<16x8x128xf32>
    %add3A_235 = arith.addf %add3A_28, %mul3A_234 : vector<16x8x128xf32>
    %floor3A_236 = math.floor %add3A_235 : vector<16x8x128xf32>
    %convert_element_type3A_237 = arith.fptosi %floor3A_236 : vector<16x8x128xf32> to vector<16x8x128xi32>
    %mul3A_238 = vector.broadcast %get3A_232 : f32 to vector<16x8x128xf32>
    %mul3A_239 = arith.mulf %mul3A_50, %mul3A_238 : vector<16x8x128xf32>
    %add3A_240 = arith.addf %add3A_38, %mul3A_239 : vector<16x8x128xf32>
    %floor3A_241 = math.floor %add3A_240 : vector<16x8x128xf32>
    %convert_element_type3A_242 = arith.fptosi %floor3A_241 : vector<16x8x128xf32> to vector<16x8x128xi32>
    %mul3A_243 = vector.broadcast %get3A_232 : f32 to vector<16x8x128xf32>
    %mul3A_244 = arith.mulf %mul3A_51, %mul3A_243 : vector<16x8x128xf32>
    %add3A_245 = arith.addf %add3A_48, %mul3A_244 : vector<16x8x128xf32>
    %floor3A_246 = math.floor %add3A_245 : vector<16x8x128xf32>
    %convert_element_type3A_247 = arith.fptosi %floor3A_246 : vector<16x8x128xf32> to vector<16x8x128xi32>
    %shift_left3A_248 = arith.constant 14 : i32
    %shift_left3A_249 = vector.broadcast %shift_left3A_248 : i32 to vector<16x8x128xi32>
    %shift_left3A_250 = arith.shli %convert_element_type3A_237, %shift_left3A_249 : vector<16x8x128xi32>
    %shift_left3A_251 = arith.constant 7 : i32
    %shift_left3A_252 = vector.broadcast %shift_left3A_251 : i32 to vector<16x8x128xi32>
    %shift_left3A_253 = arith.shli %convert_element_type3A_242, %shift_left3A_252 : vector<16x8x128xi32>
    %add3A_254 = arith.addi %shift_left3A_250, %shift_left3A_253 : vector<16x8x128xi32>
    %add3A_255 = arith.addi %add3A_254, %convert_element_type3A_247 : vector<16x8x128xi32>
    %and3A_256 = arith.constant 2097151 : i32
    %and3A_257 = vector.broadcast %and3A_256 : i32 to vector<16x8x128xi32>
    %and3A_258 = arith.andi %add3A_255, %and3A_257 : vector<16x8x128xi32>
    %swap3A_259 = arith.constant 80 : index
    %swap3A_260 = arith.constant 0 : index
    %swap3A_261 = arith.constant 0 : index
    %swap3A_262 = vector.load %arg8[%swap3A_259, %swap3A_260, %swap3A_261] : memref<128x8x128xi32, #tpu.memory_space<vmem>>, vector<16x8x128xi32>
    tpu.vector_store %arg8[%swap3A_259, %swap3A_260, %swap3A_261], %and3A_258 {strides = array<i32>} : memref<128x8x128xi32, #tpu.memory_space<vmem>>, vector<16x8x128xi32>,
    %mul3A_263 = arith.constant 8 : i32
    %mul3A_264 = arith.muli %arg0, %mul3A_263 : i32
    %add3A_265 = arith.constant 6 : i32
    %add3A_266 = arith.addi %mul3A_264, %add3A_265 : i32
    %get3A_267 = arith.index_cast %add3A_266 : i32 to index
    %get3A_268 = memref.load %arg1[%get3A_267] : memref<128xf32, #tpu.memory_space<smem>>
    %mul3A_269 = vector.broadcast %get3A_268 : f32 to vector<16x8x128xf32>
    %mul3A_270 = arith.mulf %mul3A_49, %mul3A_269 : vector<16x8x128xf32>
    %add3A_271 = arith.addf %add3A_28, %mul3A_270 : vector<16x8x128xf32>
    %floor3A_272 = math.floor %add3A_271 : vector<16x8x128xf32>
    %convert_element_type3A_273 = arith.fptosi %floor3A_272 : vector<16x8x128xf32> to vector<16x8x128xi32>
    %mul3A_274 = vector.broadcast %get3A_268 : f32 to vector<16x8x128xf32>
    %mul3A_275 = arith.mulf %mul3A_50, %mul3A_274 : vector<16x8x128xf32>
    %add3A_276 = arith.addf %add3A_38, %mul3A_275 : vector<16x8x128xf32>
    %floor3A_277 = math.floor %add3A_276 : vector<16x8x128xf32>
    %convert_element_type3A_278 = arith.fptosi %floor3A_277 : vector<16x8x128xf32> to vector<16x8x128xi32>
    %mul3A_279 = vector.broadcast %get3A_268 : f32 to vector<16x8x128xf32>
    %mul3A_280 = arith.mulf %mul3A_51, %mul3A_279 : vector<16x8x128xf32>
    %add3A_281 = arith.addf %add3A_48, %mul3A_280 : vector<16x8x128xf32>
    %floor3A_282 = math.floor %add3A_281 : vector<16x8x128xf32>
    %convert_element_type3A_283 = arith.fptosi %floor3A_282 : vector<16x8x128xf32> to vector<16x8x128xi32>
    %shift_left3A_284 = arith.constant 14 : i32
    %shift_left3A_285 = vector.broadcast %shift_left3A_284 : i32 to vector<16x8x128xi32>
    %shift_left3A_286 = arith.shli %convert_element_type3A_273, %shift_left3A_285 : vector<16x8x128xi32>
    %shift_left3A_287 = arith.constant 7 : i32
    %shift_left3A_288 = vector.broadcast %shift_left3A_287 : i32 to vector<16x8x128xi32>
    %shift_left3A_289 = arith.shli %convert_element_type3A_278, %shift_left3A_288 : vector<16x8x128xi32>
    %add3A_290 = arith.addi %shift_left3A_286, %shift_left3A_289 : vector<16x8x128xi32>
    %add3A_291 = arith.addi %add3A_290, %convert_element_type3A_283 : vector<16x8x128xi32>
    %and3A_292 = arith.constant 2097151 : i32
    %and3A_293 = vector.broadcast %and3A_292 : i32 to vector<16x8x128xi32>
    %and3A_294 = arith.andi %add3A_291, %and3A_293 : vector<16x8x128xi32>
    %swap3A_295 = arith.constant 96 : index
    %swap3A_296 = arith.constant 0 : index
    %swap3A_297 = arith.constant 0 : index
    %swap3A_298 = vector.load %arg8[%swap3A_295, %swap3A_296, %swap3A_297] : memref<128x8x128xi32, #tpu.memory_space<vmem>>, vector<16x8x128xi32>
    tpu.vector_store %arg8[%swap3A_295, %swap3A_296, %swap3A_297], %and3A_294 {strides = array<i32>} : memref<128x8x128xi32, #tpu.memory_space<vmem>>, vector<16x8x128xi32>,
    %mul3A_299 = arith.constant 8 : i32
    %mul3A_300 = arith.muli %arg0, %mul3A_299 : i32
    %add3A_301 = arith.constant 7 : i32
    %add3A_302 = arith.addi %mul3A_300, %add3A_301 : i32
    %get3A_303 = arith.index_cast %add3A_302 : i32 to index
    %get3A_304 = memref.load %arg1[%get3A_303] : memref<128xf32, #tpu.memory_space<smem>>
    %mul3A_305 = vector.broadcast %get3A_304 : f32 to vector<16x8x128xf32>
    %mul3A_306 = arith.mulf %mul3A_49, %mul3A_305 : vector<16x8x128xf32>
    %add3A_307 = arith.addf %add3A_28, %mul3A_306 : vector<16x8x128xf32>
    %floor3A_308 = math.floor %add3A_307 : vector<16x8x128xf32>
    %convert_element_type3A_309 = arith.fptosi %floor3A_308 : vector<16x8x128xf32> to vector<16x8x128xi32>
    %mul3A_310 = vector.broadcast %get3A_304 : f32 to vector<16x8x128xf32>
    %mul3A_311 = arith.mulf %mul3A_50, %mul3A_310 : vector<16x8x128xf32>
    %add3A_312 = arith.addf %add3A_38, %mul3A_311 : vector<16x8x128xf32>
    %floor3A_313 = math.floor %add3A_312 : vector<16x8x128xf32>
    %convert_element_type3A_314 = arith.fptosi %floor3A_313 : vector<16x8x128xf32> to vector<16x8x128xi32>
    %mul3A_315 = vector.broadcast %get3A_304 : f32 to vector<16x8x128xf32>
    %mul3A_316 = arith.mulf %mul3A_51, %mul3A_315 : vector<16x8x128xf32>
    %add3A_317 = arith.addf %add3A_48, %mul3A_316 : vector<16x8x128xf32>
    %floor3A_318 = math.floor %add3A_317 : vector<16x8x128xf32>
    %convert_element_type3A_319 = arith.fptosi %floor3A_318 : vector<16x8x128xf32> to vector<16x8x128xi32>
    %shift_left3A_320 = arith.constant 14 : i32
    %shift_left3A_321 = vector.broadcast %shift_left3A_320 : i32 to vector<16x8x128xi32>
    %shift_left3A_322 = arith.shli %convert_element_type3A_309, %shift_left3A_321 : vector<16x8x128xi32>
    %shift_left3A_323 = arith.constant 7 : i32
    %shift_left3A_324 = vector.broadcast %shift_left3A_323 : i32 to vector<16x8x128xi32>
    %shift_left3A_325 = arith.shli %convert_element_type3A_314, %shift_left3A_324 : vector<16x8x128xi32>
    %add3A_326 = arith.addi %shift_left3A_322, %shift_left3A_325 : vector<16x8x128xi32>
    %add3A_327 = arith.addi %add3A_326, %convert_element_type3A_319 : vector<16x8x128xi32>
    %and3A_328 = arith.constant 2097151 : i32
    %and3A_329 = vector.broadcast %and3A_328 : i32 to vector<16x8x128xi32>
    %and3A_330 = arith.andi %add3A_327, %and3A_329 : vector<16x8x128xi32>
    %swap3A_331 = arith.constant 112 : index
    %swap3A_332 = arith.constant 0 : index
    %swap3A_333 = arith.constant 0 : index
    %swap3A_334 = vector.load %arg8[%swap3A_331, %swap3A_332, %swap3A_333] : memref<128x8x128xi32, #tpu.memory_space<vmem>>, vector<16x8x128xi32>
    tpu.vector_store %arg8[%swap3A_331, %swap3A_332, %swap3A_333], %and3A_330 {strides = array<i32>} : memref<128x8x128xi32, #tpu.memory_space<vmem>>, vector<16x8x128xi32>,
    return
  }
  func.func @transform_0(%arg0: i32) -> i32 {
    %c0_i32 = arith.constant 0 : i32
    %c0_i32_0 = arith.constant 0 : i32
    return %c0_i32 : i32
  }
  func.func @transform_1(%arg0: i32) -> (i32, i32, i32) {
    %c0_i32 = arith.constant 0 : i32
    %c0_i32_0 = arith.constant 0 : i32
    %c0_i32_1 = arith.constant 0 : i32
    %c0_i32_2 = arith.constant 0 : i32
    return %c0_i32, %c0_i32_0, %c0_i32_1 : i32, i32, i32
  }
  func.func @transform_2(%arg0: i32) -> (i32, i32, i32) {
    %c0_i32 = arith.constant 0 : i32
    %c0_i32_0 = arith.constant 0 : i32
    %c0_i32_1 = arith.constant 0 : i32
    %c0_i32_2 = arith.constant 0 : i32
    return %c0_i32, %c0_i32_0, %c0_i32_1 : i32, i32, i32
  }
  func.func @transform_3(%arg0: i32) -> (i32, i32, i32) {
    %c0_i32 = arith.constant 0 : i32
    %c0_i32_0 = arith.constant 0 : i32
    %c0_i32_1 = arith.constant 0 : i32
    %c0_i32_2 = arith.constant 0 : i32
    return %c0_i32, %c0_i32_0, %c0_i32_1 : i32, i32, i32
  }
  func.func @transform_4(%arg0: i32) -> (i32, i32, i32) {
    %c0_i32 = arith.constant 0 : i32
    %c0_i32_0 = arith.constant 0 : i32
    %c0_i32_1 = arith.constant 0 : i32
    %c0_i32_2 = arith.constant 0 : i32
    return %c0_i32, %c0_i32_0, %c0_i32_1 : i32, i32, i32
  }
  func.func @transform_5(%arg0: i32) -> (i32, i32, i32) {
    %c0_i32 = arith.constant 0 : i32
    %c0_i32_0 = arith.constant 0 : i32
    %c0_i32_1 = arith.constant 0 : i32
    %c0_i32_2 = arith.constant 0 : i32
    return %c0_i32, %c0_i32_0, %c0_i32_1 : i32, i32, i32
  }
  func.func @transform_6(%arg0: i32) -> (i32, i32, i32) {
    %c0_i32 = arith.constant 0 : i32
    %c0_i32_0 = arith.constant 0 : i32
    %c0_i32_1 = arith.constant 0 : i32
    %c0_i32_2 = arith.constant 0 : i32
    return %c0_i32, %c0_i32_0, %c0_i32_1 : i32, i32, i32
  }
  func.func @transform_7(%arg0: i32) -> (i32, i32, i32) {
    %c0_i32 = arith.constant 0 : i32
    %c0_i32_0 = arith.constant 0 : i32
    %c0_i32_1 = arith.constant 0 : i32
    return %arg0, %c0_i32, %c0_i32_0 : i32, i32, i32
  }
}

module attributes {stable_mosaic.version = 14 : i64} {
  func.func @_comp_body(%arg0: i32, %arg1: memref<128x1xf32, #tpu.memory_space<vmem>>, %arg2: memref<128x1xf32, #tpu.memory_space<vmem>>, %arg3: memref<128x1x8x128xf32, #tpu.memory_space<vmem>>, %arg4: memref<1x8x128xf32, #tpu.memory_space<vmem>>, %arg5: memref<1x8x128xf32, #tpu.memory_space<vmem>>, %arg6: memref<1x8x128xf32, #tpu.memory_space<vmem>>, %arg7: memref<1x8x128xf32, #tpu.memory_space<vmem>>, %arg8: memref<1x8x128xf32, #tpu.memory_space<vmem>>, %arg9: memref<1x8x128xf32, #tpu.memory_space<vmem>>, %arg10: memref<1x8x128xf32, #tpu.memory_space<vmem>>, %arg11: memref<1x8x128xf32, #tpu.memory_space<vmem>>, %arg12: memref<1x8x128xf32, #tpu.memory_space<vmem>>) attributes {dimension_semantics = [#tpu.dimension_semantics<arbitrary>], iteration_bounds = array<i64: 16>, scalar_prefetch = 0 : i64, scratch_operands = 0 : i64, tpu.core_type = #tpu.core_type<tc>, window_params = [{pipeline_mode = #tpu.pipeline_mode<synchronous>, transform_indices = @transform_0, window_bounds = array<i64: 128, 1>}, {pipeline_mode = #tpu.pipeline_mode<synchronous>, transform_indices = @transform_1, window_bounds = array<i64: 128, 1>}, {transform_indices = @transform_2, window_bounds = array<i64: 128, 1, 8, 128>}, {transform_indices = @transform_3, window_bounds = array<i64: 1, 8, 128>}, {transform_indices = @transform_4, window_bounds = array<i64: 1, 8, 128>}, {transform_indices = @transform_5, window_bounds = array<i64: 1, 8, 128>}, {transform_indices = @transform_6, window_bounds = array<i64: 1, 8, 128>}, {transform_indices = @transform_7, window_bounds = array<i64: 1, 8, 128>}, {transform_indices = @transform_8, window_bounds = array<i64: 1, 8, 128>}, {transform_indices = @transform_9, window_bounds = array<i64: 1, 8, 128>}, {transform_indices = @transform_10, window_bounds = array<i64: 1, 8, 128>}, {transform_indices = @transform_11, window_bounds = array<i64: 1, 8, 128>}]} {
    %get3A = arith.constant 0 : index
    %get3A_0 = arith.constant 0 : index
    %get3A_1 = arith.constant 0 : index
    %get3A_2 = vector.load %arg4[%get3A, %get3A_0, %get3A_1] : memref<1x8x128xf32, #tpu.memory_space<vmem>>, vector<1x8x128xf32>
    %squeeze3A = vector.shape_cast %get3A_2 : vector<1x8x128xf32> to vector<8x128xf32>
    %get3A_3 = arith.constant 0 : index
    %get3A_4 = arith.constant 0 : index
    %get3A_5 = arith.constant 0 : index
    %get3A_6 = vector.load %arg5[%get3A_3, %get3A_4, %get3A_5] : memref<1x8x128xf32, #tpu.memory_space<vmem>>, vector<1x8x128xf32>
    %squeeze3A_7 = vector.shape_cast %get3A_6 : vector<1x8x128xf32> to vector<8x128xf32>
    %get3A_8 = arith.constant 0 : index
    %get3A_9 = arith.constant 0 : index
    %get3A_10 = arith.constant 0 : index
    %get3A_11 = vector.load %arg6[%get3A_8, %get3A_9, %get3A_10] : memref<1x8x128xf32, #tpu.memory_space<vmem>>, vector<1x8x128xf32>
    %squeeze3A_12 = vector.shape_cast %get3A_11 : vector<1x8x128xf32> to vector<8x128xf32>
    %get3A_13 = arith.constant 0 : index
    %get3A_14 = arith.constant 0 : index
    %get3A_15 = arith.constant 0 : index
    %get3A_16 = vector.load %arg7[%get3A_13, %get3A_14, %get3A_15] : memref<1x8x128xf32, #tpu.memory_space<vmem>>, vector<1x8x128xf32>
    %squeeze3A_17 = vector.shape_cast %get3A_16 : vector<1x8x128xf32> to vector<8x128xf32>
    %get3A_18 = arith.constant 0 : index
    %get3A_19 = arith.constant 0 : index
    %get3A_20 = arith.constant 0 : index
    %get3A_21 = vector.load %arg8[%get3A_18, %get3A_19, %get3A_20] : memref<1x8x128xf32, #tpu.memory_space<vmem>>, vector<1x8x128xf32>
    %squeeze3A_22 = vector.shape_cast %get3A_21 : vector<1x8x128xf32> to vector<8x128xf32>
    %get3A_23 = arith.constant 0 : index
    %get3A_24 = arith.constant 0 : index
    %get3A_25 = arith.constant 0 : index
    %get3A_26 = vector.load %arg9[%get3A_23, %get3A_24, %get3A_25] : memref<1x8x128xf32, #tpu.memory_space<vmem>>, vector<1x8x128xf32>
    %squeeze3A_27 = vector.shape_cast %get3A_26 : vector<1x8x128xf32> to vector<8x128xf32>
    %mul3A = arith.mulf %squeeze3A_17, %squeeze3A_17 : vector<8x128xf32>
    %mul3A_28 = arith.mulf %squeeze3A_22, %squeeze3A_22 : vector<8x128xf32>
    %add3A = arith.addf %mul3A, %mul3A_28 : vector<8x128xf32>
    %mul3A_29 = arith.mulf %squeeze3A_27, %squeeze3A_27 : vector<8x128xf32>
    %add3A_30 = arith.addf %add3A, %mul3A_29 : vector<8x128xf32>
    %sqrt3A = math.sqrt %add3A_30 : vector<8x128xf32>
    %add3A_31 = arith.constant 9.99999993E-9 : f32
    %add3A_32 = vector.broadcast %add3A_31 : f32 to vector<8x128xf32>
    %add3A_33 = arith.addf %sqrt3A, %add3A_32 : vector<8x128xf32>
    %div3A = arith.constant 1.000000e+00 : f32
    %div3A_34 = vector.broadcast %div3A : f32 to vector<8x128xf32>
    %div3A_35 = arith.divf %div3A_34, %add3A_33 : vector<8x128xf32>
    %mul3A_36 = arith.mulf %squeeze3A_17, %div3A_35 : vector<8x128xf32>
    %mul3A_37 = arith.mulf %squeeze3A_22, %div3A_35 : vector<8x128xf32>
    %mul3A_38 = arith.mulf %squeeze3A_27, %div3A_35 : vector<8x128xf32>
    %mul3A_39 = arith.constant 6.400000e+01 : f32
    %mul3A_40 = vector.broadcast %mul3A_39 : f32 to vector<8x128xf32>
    %mul3A_41 = arith.mulf %squeeze3A, %mul3A_40 : vector<8x128xf32>
    %add3A_42 = arith.constant 6.400000e+01 : f32
    %add3A_43 = vector.broadcast %add3A_42 : f32 to vector<8x128xf32>
    %add3A_44 = arith.addf %mul3A_41, %add3A_43 : vector<8x128xf32>
    %mul3A_45 = arith.constant 6.400000e+01 : f32
    %mul3A_46 = vector.broadcast %mul3A_45 : f32 to vector<8x128xf32>
    %mul3A_47 = arith.mulf %mul3A_36, %mul3A_46 : vector<8x128xf32>
    %div3A_48 = arith.constant 1.000000e+00 : f32
    %div3A_49 = vector.broadcast %div3A_48 : f32 to vector<8x128xf32>
    %div3A_50 = arith.divf %div3A_49, %mul3A_47 : vector<8x128xf32>
    %sub3A = arith.constant 0.000000e+00 : f32
    %sub3A_51 = vector.broadcast %sub3A : f32 to vector<8x128xf32>
    %sub3A_52 = arith.subf %sub3A_51, %add3A_44 : vector<8x128xf32>
    %mul3A_53 = arith.mulf %sub3A_52, %div3A_50 : vector<8x128xf32>
    %sub3A_54 = arith.constant 1.280000e+02 : f32
    %sub3A_55 = vector.broadcast %sub3A_54 : f32 to vector<8x128xf32>
    %sub3A_56 = arith.subf %sub3A_55, %add3A_44 : vector<8x128xf32>
    %mul3A_57 = arith.mulf %sub3A_56, %div3A_50 : vector<8x128xf32>
    %min3A = arith.minimumf %mul3A_53, %mul3A_57 : vector<8x128xf32>
    %max3A = arith.maximumf %mul3A_53, %mul3A_57 : vector<8x128xf32>
    %mul3A_58 = arith.constant 6.400000e+01 : f32
    %mul3A_59 = vector.broadcast %mul3A_58 : f32 to vector<8x128xf32>
    %mul3A_60 = arith.mulf %squeeze3A_7, %mul3A_59 : vector<8x128xf32>
    %add3A_61 = arith.constant 6.400000e+01 : f32
    %add3A_62 = vector.broadcast %add3A_61 : f32 to vector<8x128xf32>
    %add3A_63 = arith.addf %mul3A_60, %add3A_62 : vector<8x128xf32>
    %mul3A_64 = arith.constant 6.400000e+01 : f32
    %mul3A_65 = vector.broadcast %mul3A_64 : f32 to vector<8x128xf32>
    %mul3A_66 = arith.mulf %mul3A_37, %mul3A_65 : vector<8x128xf32>
    %div3A_67 = arith.constant 1.000000e+00 : f32
    %div3A_68 = vector.broadcast %div3A_67 : f32 to vector<8x128xf32>
    %div3A_69 = arith.divf %div3A_68, %mul3A_66 : vector<8x128xf32>
    %sub3A_70 = arith.constant 0.000000e+00 : f32
    %sub3A_71 = vector.broadcast %sub3A_70 : f32 to vector<8x128xf32>
    %sub3A_72 = arith.subf %sub3A_71, %add3A_63 : vector<8x128xf32>
    %mul3A_73 = arith.mulf %sub3A_72, %div3A_69 : vector<8x128xf32>
    %sub3A_74 = arith.constant 1.280000e+02 : f32
    %sub3A_75 = vector.broadcast %sub3A_74 : f32 to vector<8x128xf32>
    %sub3A_76 = arith.subf %sub3A_75, %add3A_63 : vector<8x128xf32>
    %mul3A_77 = arith.mulf %sub3A_76, %div3A_69 : vector<8x128xf32>
    %min3A_78 = arith.minimumf %mul3A_73, %mul3A_77 : vector<8x128xf32>
    %max3A_79 = arith.maximumf %mul3A_73, %mul3A_77 : vector<8x128xf32>
    %mul3A_80 = arith.constant 6.400000e+01 : f32
    %mul3A_81 = vector.broadcast %mul3A_80 : f32 to vector<8x128xf32>
    %mul3A_82 = arith.mulf %squeeze3A_12, %mul3A_81 : vector<8x128xf32>
    %add3A_83 = arith.constant 6.400000e+01 : f32
    %add3A_84 = vector.broadcast %add3A_83 : f32 to vector<8x128xf32>
    %add3A_85 = arith.addf %mul3A_82, %add3A_84 : vector<8x128xf32>
    %mul3A_86 = arith.constant 6.400000e+01 : f32
    %mul3A_87 = vector.broadcast %mul3A_86 : f32 to vector<8x128xf32>
    %mul3A_88 = arith.mulf %mul3A_38, %mul3A_87 : vector<8x128xf32>
    %div3A_89 = arith.constant 1.000000e+00 : f32
    %div3A_90 = vector.broadcast %div3A_89 : f32 to vector<8x128xf32>
    %div3A_91 = arith.divf %div3A_90, %mul3A_88 : vector<8x128xf32>
    %sub3A_92 = arith.constant 0.000000e+00 : f32
    %sub3A_93 = vector.broadcast %sub3A_92 : f32 to vector<8x128xf32>
    %sub3A_94 = arith.subf %sub3A_93, %add3A_85 : vector<8x128xf32>
    %mul3A_95 = arith.mulf %sub3A_94, %div3A_91 : vector<8x128xf32>
    %sub3A_96 = arith.constant 1.280000e+02 : f32
    %sub3A_97 = vector.broadcast %sub3A_96 : f32 to vector<8x128xf32>
    %sub3A_98 = arith.subf %sub3A_97, %add3A_85 : vector<8x128xf32>
    %mul3A_99 = arith.mulf %sub3A_98, %div3A_91 : vector<8x128xf32>
    %min3A_100 = arith.minimumf %mul3A_95, %mul3A_99 : vector<8x128xf32>
    %max3A_101 = arith.maximumf %mul3A_95, %mul3A_99 : vector<8x128xf32>
    %max3A_102 = arith.maximumf %min3A, %min3A_78 : vector<8x128xf32>
    %max3A_103 = arith.maximumf %max3A_102, %min3A_100 : vector<8x128xf32>
    %min3A_104 = arith.minimumf %max3A, %max3A_79 : vector<8x128xf32>
    %min3A_105 = arith.minimumf %min3A_104, %max3A_101 : vector<8x128xf32>
    %get3A_106 = arith.constant 0 : index
    %get3A_107 = arith.constant 0 : index
    %get3A_108 = arith.constant 0 : index
    %get3A_109 = arith.constant 0 : index
    %get3A_110 = vector.load %arg3[%get3A_106, %get3A_107, %get3A_108, %get3A_109] : memref<128x1x8x128xf32, #tpu.memory_space<vmem>>, vector<128x1x8x128xf32>
    %squeeze3A_111 = vector.shape_cast %get3A_110 : vector<128x1x8x128xf32> to vector<128x8x128xf32>
    %get3A_112 = arith.constant 0 : index
    %get3A_113 = arith.constant 0 : index
    %get3A_114 = vector.load %arg1[%get3A_112, %get3A_113] : memref<128x1xf32, #tpu.memory_space<vmem>>, vector<128x1xf32>
    %reshape3A = vector.shape_cast %get3A_114 : vector<128x1xf32> to vector<128x1x1xf32>
    %broadcast_in_dim3A = vector.shape_cast %max3A_103 : vector<8x128xf32> to vector<1x8x128xf32>
    %ge3A = vector.broadcast %reshape3A : vector<128x1x1xf32> to vector<128x8x128xf32>
    %ge3A_115 = vector.broadcast %broadcast_in_dim3A : vector<1x8x128xf32> to vector<128x8x128xf32>
    %ge3A_116 = arith.cmpf oge, %ge3A, %ge3A_115 : vector<128x8x128xf32>
    %broadcast_in_dim3A_117 = vector.shape_cast %min3A_105 : vector<8x128xf32> to vector<1x8x128xf32>
    %le3A = vector.broadcast %reshape3A : vector<128x1x1xf32> to vector<128x8x128xf32>
    %le3A_118 = vector.broadcast %broadcast_in_dim3A_117 : vector<1x8x128xf32> to vector<128x8x128xf32>
    %le3A_119 = arith.cmpf ole, %le3A, %le3A_118 : vector<128x8x128xf32>
    %and3A = arith.andi %ge3A_116, %le3A_119 : vector<128x8x128xi1>
    %exp3A = math.exp %squeeze3A_111 : vector<128x8x128xf32>
    %log1p3A = math.log1p %exp3A : vector<128x8x128xf32>
    %gt3A = arith.constant 0.00999999977 : f32
    %gt3A_120 = vector.broadcast %gt3A : f32 to vector<128x8x128xf32>
    %gt3A_121 = arith.cmpf ogt, %squeeze3A_111, %gt3A_120 : vector<128x8x128xf32>
    %and3A_122 = arith.andi %gt3A_121, %and3A : vector<128x8x128xi1>
    %jit3A = arith.constant 0.000000e+00 : f32
    %broadcast_in_dim3A_123 = vector.broadcast %jit3A : f32 to vector<128x8x128xf32>
    %select_n3A = arith.select %and3A_122, %log1p3A, %broadcast_in_dim3A_123 : vector<128x8x128xi1>, vector<128x8x128xf32>
    %get3A_124 = arith.constant 0 : index
    %get3A_125 = arith.constant 0 : index
    %get3A_126 = vector.load %arg2[%get3A_124, %get3A_125] : memref<128x1xf32, #tpu.memory_space<vmem>>, vector<128x1xf32>
    %reshape3A_127 = vector.shape_cast %get3A_126 : vector<128x1xf32> to vector<128x1x1xf32>
    %mul3A_128 = vector.broadcast %reshape3A_127 : vector<128x1x1xf32> to vector<128x8x128xf32>
    %mul3A_129 = arith.mulf %select_n3A, %mul3A_128 : vector<128x8x128xf32>
    %broadcast_in_dim3A_130 = arith.constant 0.000000e+00 : f32
    %broadcast_in_dim3A_131 = vector.broadcast %broadcast_in_dim3A_130 : f32 to vector<1x8x128xf32>
    %slice3A = vector.extract_strided_slice %mul3A_129 {offsets = [0, 0, 0], sizes = [127, 8, 128], strides = [1, 1, 1]} : vector<128x8x128xf32> to vector<127x8x128xf32>
    %concatenate3A = tpu.concatenate %broadcast_in_dim3A_131, %slice3A in 0 : vector<1x8x128xf32>, vector<127x8x128xf32> -> vector<128x8x128xf32>
    %add3A_132 = arith.addf %mul3A_129, %concatenate3A : vector<128x8x128xf32>
    %broadcast_in_dim3A_133 = arith.constant 0.000000e+00 : f32
    %broadcast_in_dim3A_134 = vector.broadcast %broadcast_in_dim3A_133 : f32 to vector<2x8x128xf32>
    %slice3A_135 = vector.extract_strided_slice %add3A_132 {offsets = [0, 0, 0], sizes = [126, 8, 128], strides = [1, 1, 1]} : vector<128x8x128xf32> to vector<126x8x128xf32>
    %concatenate3A_136 = tpu.concatenate %broadcast_in_dim3A_134, %slice3A_135 in 0 : vector<2x8x128xf32>, vector<126x8x128xf32> -> vector<128x8x128xf32>
    %add3A_137 = arith.addf %add3A_132, %concatenate3A_136 : vector<128x8x128xf32>
    %broadcast_in_dim3A_138 = arith.constant 0.000000e+00 : f32
    %broadcast_in_dim3A_139 = vector.broadcast %broadcast_in_dim3A_138 : f32 to vector<4x8x128xf32>
    %slice3A_140 = vector.extract_strided_slice %add3A_137 {offsets = [0, 0, 0], sizes = [124, 8, 128], strides = [1, 1, 1]} : vector<128x8x128xf32> to vector<124x8x128xf32>
    %concatenate3A_141 = tpu.concatenate %broadcast_in_dim3A_139, %slice3A_140 in 0 : vector<4x8x128xf32>, vector<124x8x128xf32> -> vector<128x8x128xf32>
    %add3A_142 = arith.addf %add3A_137, %concatenate3A_141 : vector<128x8x128xf32>
    %broadcast_in_dim3A_143 = arith.constant 0.000000e+00 : f32
    %broadcast_in_dim3A_144 = vector.broadcast %broadcast_in_dim3A_143 : f32 to vector<8x8x128xf32>
    %slice3A_145 = vector.extract_strided_slice %add3A_142 {offsets = [0, 0, 0], sizes = [120, 8, 128], strides = [1, 1, 1]} : vector<128x8x128xf32> to vector<120x8x128xf32>
    %concatenate3A_146 = tpu.concatenate %broadcast_in_dim3A_144, %slice3A_145 in 0 : vector<8x8x128xf32>, vector<120x8x128xf32> -> vector<128x8x128xf32>
    %add3A_147 = arith.addf %add3A_142, %concatenate3A_146 : vector<128x8x128xf32>
    %broadcast_in_dim3A_148 = arith.constant 0.000000e+00 : f32
    %broadcast_in_dim3A_149 = vector.broadcast %broadcast_in_dim3A_148 : f32 to vector<16x8x128xf32>
    %slice3A_150 = vector.extract_strided_slice %add3A_147 {offsets = [0, 0, 0], sizes = [112, 8, 128], strides = [1, 1, 1]} : vector<128x8x128xf32> to vector<112x8x128xf32>
    %concatenate3A_151 = tpu.concatenate %broadcast_in_dim3A_149, %slice3A_150 in 0 : vector<16x8x128xf32>, vector<112x8x128xf32> -> vector<128x8x128xf32>
    %add3A_152 = arith.addf %add3A_147, %concatenate3A_151 : vector<128x8x128xf32>
    %broadcast_in_dim3A_153 = arith.constant 0.000000e+00 : f32
    %broadcast_in_dim3A_154 = vector.broadcast %broadcast_in_dim3A_153 : f32 to vector<32x8x128xf32>
    %slice3A_155 = vector.extract_strided_slice %add3A_152 {offsets = [0, 0, 0], sizes = [96, 8, 128], strides = [1, 1, 1]} : vector<128x8x128xf32> to vector<96x8x128xf32>
    %concatenate3A_156 = tpu.concatenate %broadcast_in_dim3A_154, %slice3A_155 in 0 : vector<32x8x128xf32>, vector<96x8x128xf32> -> vector<128x8x128xf32>
    %add3A_157 = arith.addf %add3A_152, %concatenate3A_156 : vector<128x8x128xf32>
    %broadcast_in_dim3A_158 = arith.constant 0.000000e+00 : f32
    %broadcast_in_dim3A_159 = vector.broadcast %broadcast_in_dim3A_158 : f32 to vector<64x8x128xf32>
    %slice3A_160 = vector.extract_strided_slice %add3A_157 {offsets = [0, 0, 0], sizes = [64, 8, 128], strides = [1, 1, 1]} : vector<128x8x128xf32> to vector<64x8x128xf32>
    %concatenate3A_161 = tpu.concatenate %broadcast_in_dim3A_159, %slice3A_160 in 0 : vector<64x8x128xf32>, vector<64x8x128xf32> -> vector<128x8x128xf32>
    %add3A_162 = arith.addf %add3A_157, %concatenate3A_161 : vector<128x8x128xf32>
    %neg3A = arith.constant 0.000000e+00 : f32
    %neg3A_163 = vector.broadcast %neg3A : f32 to vector<128x8x128xf32>
    %neg3A_164 = arith.subf %neg3A_163, %add3A_162 : vector<128x8x128xf32>
    %exp3A_165 = math.exp %neg3A_164 : vector<128x8x128xf32>
    %broadcast_in_dim3A_166 = arith.constant 1.000000e+00 : f32
    %broadcast_in_dim3A_167 = vector.broadcast %broadcast_in_dim3A_166 : f32 to vector<1x8x128xf32>
    %slice3A_168 = vector.extract_strided_slice %exp3A_165 {offsets = [0, 0, 0], sizes = [127, 8, 128], strides = [1, 1, 1]} : vector<128x8x128xf32> to vector<127x8x128xf32>
    %concatenate3A_169 = tpu.concatenate %broadcast_in_dim3A_167, %slice3A_168 in 0 : vector<1x8x128xf32>, vector<127x8x128xf32> -> vector<128x8x128xf32>
    %sub3A_170 = arith.subf %concatenate3A_169, %exp3A_165 : vector<128x8x128xf32>
    %slice3A_171 = vector.extract_strided_slice %exp3A_165 {offsets = [127, 0, 0], sizes = [1, 8, 128], strides = [1, 1, 1]} : vector<128x8x128xf32> to vector<1x8x128xf32>
    %squeeze3A_172 = vector.shape_cast %slice3A_171 : vector<1x8x128xf32> to vector<8x128xf32>
    %sub3A_173 = arith.constant 1.000000e+00 : f32
    %sub3A_174 = vector.broadcast %sub3A_173 : f32 to vector<8x128xf32>
    %sub3A_175 = arith.subf %sub3A_174, %squeeze3A_172 : vector<8x128xf32>
    %mul3A_176 = vector.broadcast %reshape3A : vector<128x1x1xf32> to vector<128x8x128xf32>
    %mul3A_177 = arith.mulf %sub3A_170, %mul3A_176 : vector<128x8x128xf32>
    %reduce_sum3A = arith.constant dense<0.000000e+00> : vector<8x128xf32>
    %reduce_sum3A_178 = vector.multi_reduction <add>, %mul3A_177, %reduce_sum3A [0] : vector<128x8x128xf32> to vector<8x128xf32>
    %mul3A_179 = arith.mulf %squeeze3A, %sub3A_175 : vector<8x128xf32>
    %mul3A_180 = arith.mulf %mul3A_36, %reduce_sum3A_178 : vector<8x128xf32>
    %add3A_181 = arith.addf %mul3A_179, %mul3A_180 : vector<8x128xf32>
    %swap3A = arith.constant 0 : index
    %swap3A_182 = arith.constant 0 : index
    %swap3A_183 = arith.constant 0 : index
    %swap3A_184 = vector.load %arg10[%swap3A, %swap3A_182, %swap3A_183] : memref<1x8x128xf32, #tpu.memory_space<vmem>>, vector<1x8x128xf32>
    %swap3A_185 = vector.shape_cast %swap3A_184 : vector<1x8x128xf32> to vector<8x128xf32>
    %swap3A_186 = vector.shape_cast %add3A_181 : vector<8x128xf32> to vector<1x8x128xf32>
    tpu.vector_store %arg10[%swap3A, %swap3A_182, %swap3A_183], %swap3A_186 {strides = array<i32>} : memref<1x8x128xf32, #tpu.memory_space<vmem>>, vector<1x8x128xf32>,
    %mul3A_187 = arith.mulf %squeeze3A_7, %sub3A_175 : vector<8x128xf32>
    %mul3A_188 = arith.mulf %mul3A_37, %reduce_sum3A_178 : vector<8x128xf32>
    %add3A_189 = arith.addf %mul3A_187, %mul3A_188 : vector<8x128xf32>
    %swap3A_190 = arith.constant 0 : index
    %swap3A_191 = arith.constant 0 : index
    %swap3A_192 = arith.constant 0 : index
    %swap3A_193 = vector.load %arg11[%swap3A_190, %swap3A_191, %swap3A_192] : memref<1x8x128xf32, #tpu.memory_space<vmem>>, vector<1x8x128xf32>
    %swap3A_194 = vector.shape_cast %swap3A_193 : vector<1x8x128xf32> to vector<8x128xf32>
    %swap3A_195 = vector.shape_cast %add3A_189 : vector<8x128xf32> to vector<1x8x128xf32>
    tpu.vector_store %arg11[%swap3A_190, %swap3A_191, %swap3A_192], %swap3A_195 {strides = array<i32>} : memref<1x8x128xf32, #tpu.memory_space<vmem>>, vector<1x8x128xf32>,
    %mul3A_196 = arith.mulf %squeeze3A_12, %sub3A_175 : vector<8x128xf32>
    %mul3A_197 = arith.mulf %mul3A_38, %reduce_sum3A_178 : vector<8x128xf32>
    %add3A_198 = arith.addf %mul3A_196, %mul3A_197 : vector<8x128xf32>
    %swap3A_199 = arith.constant 0 : index
    %swap3A_200 = arith.constant 0 : index
    %swap3A_201 = arith.constant 0 : index
    %swap3A_202 = vector.load %arg12[%swap3A_199, %swap3A_200, %swap3A_201] : memref<1x8x128xf32, #tpu.memory_space<vmem>>, vector<1x8x128xf32>
    %swap3A_203 = vector.shape_cast %swap3A_202 : vector<1x8x128xf32> to vector<8x128xf32>
    %swap3A_204 = vector.shape_cast %add3A_198 : vector<8x128xf32> to vector<1x8x128xf32>
    tpu.vector_store %arg12[%swap3A_199, %swap3A_200, %swap3A_201], %swap3A_204 {strides = array<i32>} : memref<1x8x128xf32, #tpu.memory_space<vmem>>, vector<1x8x128xf32>,
    return
  }
  func.func @transform_0(%arg0: i32) -> (i32, i32) {
    %c0_i32 = arith.constant 0 : i32
    %c0_i32_0 = arith.constant 0 : i32
    %c0_i32_1 = arith.constant 0 : i32
    return %c0_i32, %c0_i32_0 : i32, i32
  }
  func.func @transform_1(%arg0: i32) -> (i32, i32) {
    %c0_i32 = arith.constant 0 : i32
    %c0_i32_0 = arith.constant 0 : i32
    %c0_i32_1 = arith.constant 0 : i32
    return %c0_i32, %c0_i32_0 : i32, i32
  }
  func.func @transform_2(%arg0: i32) -> (i32, i32, i32, i32) {
    %c0_i32 = arith.constant 0 : i32
    %c0_i32_0 = arith.constant 0 : i32
    %c0_i32_1 = arith.constant 0 : i32
    %c0_i32_2 = arith.constant 0 : i32
    return %c0_i32, %arg0, %c0_i32_0, %c0_i32_1 : i32, i32, i32, i32
  }
  func.func @transform_3(%arg0: i32) -> (i32, i32, i32) {
    %c0_i32 = arith.constant 0 : i32
    %c0_i32_0 = arith.constant 0 : i32
    %c0_i32_1 = arith.constant 0 : i32
    return %arg0, %c0_i32, %c0_i32_0 : i32, i32, i32
  }
  func.func @transform_4(%arg0: i32) -> (i32, i32, i32) {
    %c0_i32 = arith.constant 0 : i32
    %c0_i32_0 = arith.constant 0 : i32
    %c0_i32_1 = arith.constant 0 : i32
    return %arg0, %c0_i32, %c0_i32_0 : i32, i32, i32
  }
  func.func @transform_5(%arg0: i32) -> (i32, i32, i32) {
    %c0_i32 = arith.constant 0 : i32
    %c0_i32_0 = arith.constant 0 : i32
    %c0_i32_1 = arith.constant 0 : i32
    return %arg0, %c0_i32, %c0_i32_0 : i32, i32, i32
  }
  func.func @transform_6(%arg0: i32) -> (i32, i32, i32) {
    %c0_i32 = arith.constant 0 : i32
    %c0_i32_0 = arith.constant 0 : i32
    %c0_i32_1 = arith.constant 0 : i32
    return %arg0, %c0_i32, %c0_i32_0 : i32, i32, i32
  }
  func.func @transform_7(%arg0: i32) -> (i32, i32, i32) {
    %c0_i32 = arith.constant 0 : i32
    %c0_i32_0 = arith.constant 0 : i32
    %c0_i32_1 = arith.constant 0 : i32
    return %arg0, %c0_i32, %c0_i32_0 : i32, i32, i32
  }
  func.func @transform_8(%arg0: i32) -> (i32, i32, i32) {
    %c0_i32 = arith.constant 0 : i32
    %c0_i32_0 = arith.constant 0 : i32
    %c0_i32_1 = arith.constant 0 : i32
    return %arg0, %c0_i32, %c0_i32_0 : i32, i32, i32
  }
  func.func @transform_9(%arg0: i32) -> (i32, i32, i32) {
    %c0_i32 = arith.constant 0 : i32
    %c0_i32_0 = arith.constant 0 : i32
    %c0_i32_1 = arith.constant 0 : i32
    return %arg0, %c0_i32, %c0_i32_0 : i32, i32, i32
  }
  func.func @transform_10(%arg0: i32) -> (i32, i32, i32) {
    %c0_i32 = arith.constant 0 : i32
    %c0_i32_0 = arith.constant 0 : i32
    %c0_i32_1 = arith.constant 0 : i32
    return %arg0, %c0_i32, %c0_i32_0 : i32, i32, i32
  }
  func.func @transform_11(%arg0: i32) -> (i32, i32, i32) {
    %c0_i32 = arith.constant 0 : i32
    %c0_i32_0 = arith.constant 0 : i32
    %c0_i32_1 = arith.constant 0 : i32
    return %arg0, %c0_i32, %c0_i32_0 : i32, i32, i32
  }
}

</mosaic_0001>

<sc_bundles>
// kernel: kernel.14.cloned.1.call-start
scs
__scs_entry_jumppad:
0x0: {  	(pc) =	sbr.rel $0x88, $3  }
0x1: {  	(tag) =	ssettag $0x0;
	lr =	simm.s32 $0x1  }
0x2: {  	[smem:$0x3F9E] =	sst lr;
	_ =	strace $0xD0000000  }
0x3: {  	_ = 	snop  }
0x4: {  	_ = 	snop  }
0x5: {  	_ = 	snop  }
0x6: {  	_ = 	snop  }
0x7: {  	_ = 	snop  }
__scs_overlays_trampoline_lowered:
0x8: {  	[smem:$0x3FAD] =	sst s0  }
0x9: {  	[smem:$0x3FAE] =	sst s1  }
0xa: {  	[smem:$0x3FAF] =	sst s2  }
0xb: {  	[smem:$0x3FB0] =	sst s3  }
0xc: {  	[smem:$0x3FB1] =	sst s4  }
0xd: {  	[smem:$0x3FB2] =	sst s5  }
0xe: {  	[smem:$0x3FB3] =	sst s6  }
0xf: {  	[smem:$0x3FB4] =	sst s7  }
0x10: {  	[smem:$0x3FB5] =	sst s8  }
0x11: {  	[smem:$0x3FB6] =	sst s9;
	s0 =	simm.s32 @!p0 $0x0  }
0x12: {  	s1 =	sld [smem:$0x3F9C];
	s0 =	simm.s32 @p0 $0x1  }
0x13: {  	[smem:$0x3FB7] =	sst s0;
	s0 =	simm.s32 @!p1 $0x0  }
0x14: {  	s2 =	sld [smem:$0x3F9B];
	s0 =	simm.s32 @p1 $0x1  }
0x15: {  	[smem:$0x3FB8] =	sst s0;
	s0 =	simm.s32 @!p2 $0x0  }
0x16: {  	s3 =	sld [smem:$0x3FDB];
	s0 =	simm.s32 @p2 $0x1  }
0x17: {  	s4 =	simm.s32 $0x1BF5;
	[smem:$0x3FBA] =	sst s0  }
0x18: {  	s0 =	sld [smem:$0x3F9D];
	_ =	swait.ge [sflag:s4], $0x0  }
0x19: {  	s7 =	sld [smem:$0x3F9E]  }
0x1a: {  	s8 =	sadd.s32 $0xFFFFE003, lr  }
0x1b: {  	s9 =	sadd.s32 $0xFFFFFEF7, lr;
	s5 =	simm.s32 $0xFFFFFFFF;
	p2 =	slt.u32 s8, $0xFFFFF086  }
0x1c: {  	p1 =	slt.u32 s9, $0xF7A;
	s5 =	simm.s32 @!p2 $0x0  }
0x1d: {  	s5 =	simm.s32 @p1 $0x1;
	p0 =	seq.s32 s7, s2  }
0x1e: {  	s7 =	smul.u32 @!p0 $0xF7A, s2;
	p2 =	seq.s32 @!p0 s5, $0x0  }
0x1f: {  	s9 =	smul.u32 $0xF7A, s1;
	s8 =	simm.s32 @!p0 $0x1BF5;
	p2 =	por !p2, p0  }
0x20: {  	[sflag:s8] =	ssyncset.s32 @!p0 $0xFFFFF086;
	s6 =	sadd.s32 @!p0 s3, s7;
	s7 =	simm.s32 @!p0 $0x108  }
0x21: {  	s3 =	sadd.s32 s3, s9;
	s6 =	sadd.s32 @!p0 $0x88, s6;
	s7 =	simm.s32 @p2 $0x1082  }
0x22: {  	[simem:s7], [sflag:s8] =	dma.local @!p0 [hbm:s6], $0xF7A  }
0x23: {  	s9 =	sor.u32 $0xD0000000, s2;
	s6 =	simm.s32 $0x108;
	_ =	swait.ge @!p0 [sflag:s8], $0x0  }
0x24: {  	s3 =	sadd.s32 $0x88, s3;
	s6 =	simm.s32 @!p1 $0x1082;
	[sflag:s4] =	ssyncset.s32 $0xFFFFF086  }
0x25: {  	[simem:s6], [sflag:s4] =	dma.local [hbm:s3], $0xF7A  }
0x26: {  	[smem:$0x3F9E] =	sst s1;
	(tag) =	ssettag s2;
	_ =	strace s9  }
0x27: {  	s1 =	sld [smem:$0x3FAE]  }
0x28: {  	s2 =	sld [smem:$0x3FAF]  }
0x29: {  	s4 =	sld [smem:$0x3FB1]  }
0x2a: {  	p0 =	seq.s32 s5, $0x0;
	s5 =	sld [smem:$0x3FB2]  }
0x2b: {  	s6 =	sld [smem:$0x3FB3]  }
0x2c: {  	s7 =	sld [smem:$0x3FB4]  }
0x2d: {  	s3 =	simm.s32 $0x108;
	s8 =	sld [smem:$0x3FB5]  }
0x2e: {  	s3 =	simm.s32 @!p0 $0x1082;
	s9 =	sld [smem:$0x3FB6]  }
0x2f: {  	lr =	sadd.s32 s0, s3;
	s0 =	sld [smem:$0x3FAD]  }
0x30: {  	s3 =	sld [smem:$0x3FB0]  }
0x31: {  	[smem:$0x3FB9] =	sst s10  }
0x32: {  	s10 =	sld [smem:$0x3FB7];
	_ =	sdelay $0x3  }
0x33: {  	p0 =	seq.s32 s10, $0x1;
	s10 =	sld [smem:$0x3FB9];
	_ =	sdelay $0x3  }
0x34: {  	[smem:$0x3FB9] =	sst s10  }
0x35: {  	s10 =	sld [smem:$0x3FB8];
	_ =	sdelay $0x3  }
0x36: {  	p1 =	seq.s32 s10, $0x1;
	s10 =	sld [smem:$0x3FB9];
	_ =	sdelay $0x3  }
0x37: {  	[smem:$0x3FB9] =	sst s10  }
0x38: {  	s10 =	sld [smem:$0x3FBA]  }
0x39: {  	_ = 	snop;
	(pc) =	sbr.ind lr, $3  }
0x3a: {  	_ = 	snop  }
0x3b: {  	_ = 	snop  }
0x3c: {  	p2 =	seq.s32 s10, $0x1;
	s10 =	sld [smem:$0x3FB9]  }
0x3d: {  	_ =	shalt  }
0x3e: {  	_ =	shalt  }
0x3f: {  	_ =	shalt  }
0x40: {  	_ =	shalt  }
0x41: {  	_ =	shalt  }
0x42: {  	_ =	shalt  }
0x43: {  	_ =	shalt  }
0x44: {  	_ =	shalt  }
0x45: {  	_ =	shalt  }
0x46: {  	_ =	shalt  }
0x47: {  	_ =	shalt  }
0x48: {  	_ =	shalt  }
0x49: {  	_ =	shalt  }
0x4a: {  	_ =	shalt  }
0x4b: {  	_ =	shalt  }
0x4c: {  	_ =	shalt  }
0x4d: {  	_ =	shalt  }
0x4e: {  	_ =	shalt  }
0x4f: {  	_ =	shalt  }
0x50: {  	_ =	shalt  }
0x51: {  	_ =	shalt  }
0x52: {  	_ =	shalt  }
0x53: {  	_ =	shalt  }
0x54: {  	_ =	shalt  }
0x55: {  	_ =	shalt  }
0x56: {  	_ =	shalt  }
0x57: {  	_ =	shalt  }
0x58: {  	_ =	shalt  }
0x59: {  	_ =	shalt  }
0x5a: {  	_ =	shalt  }
0x5b: {  	_ =	shalt  }
0x5c: {  	_ =	shalt  }
0x5d: {  	_ =	shalt  }
0x5e: {  	_ =	shalt  }
0x5f: {  	_ =	shalt  }
0x60: {  	_ =	shalt  }
0x61: {  	_ =	shalt  }
0x62: {  	_ =	shalt  }
0x63: {  	_ =	shalt  }
0x64: {  	_ =	shalt  }
0x65: {  	_ =	shalt  }
0x66: {  	_ =	shalt  }
0x67: {  	_ =	shalt  }
0x68: {  	_ =	shalt  }
0x69: {  	_ =	shalt  }
0x6a: {  	_ =	shalt  }
0x6b: {  	_ =	shalt  }
0x6c: {  	_ =	shalt  }
0x6d: {  	_ =	shalt  }
0x6e: {  	_ =	shalt  }
0x6f: {  	_ =	shalt  }
0x70: {  	_ =	shalt  }
0x71: {  	_ =	shalt  }
0x72: {  	_ =	shalt  }
0x73: {  	_ =	shalt  }
0x74: {  	_ =	shalt  }
0x75: {  	_ =	shalt  }
0x76: {  	_ =	shalt  }
0x77: {  	_ =	shalt  }
0x78: {  	_ =	shalt  }
0x79: {  	_ =	shalt  }
0x7a: {  	_ =	shalt  }
0x7b: {  	_ =	shalt  }
0x7c: {  	_ =	shalt  }
0x7d: {  	_ =	shalt  }
0x7e: {  	_ =	shalt  }
0x7f: {  	_ =	shalt  }
0x80: {  	_ =	shalt  }
0x81: {  	_ =	shalt  }
0x82: {  	_ =	shalt  }
0x83: {  	_ =	shalt  }
0x84: {  	_ =	shalt  }
0x85: {  	_ =	shalt  }
0x86: {  	_ =	shalt  }
0x87: {  	_ =	shalt  }
.Lfunc_end0:
.L_simem_size_0:
called_computation_lowered:
.L_overlay_start_0:
0x88: {  	s2 =	sld [smem:$0x3FD9]  }
0x89: {  	s3 =	sld [smem:$0x3FFE];
	_ =	sdelay $0x1  }
0x8a: {  	s1 =	srdreg.scid  }
0x8b: {  	s0 =	sand.u32 $0x1, s1  }
0x8c: {  	s17 =	sshll.u32 s0, $0xA;
	s2 =	sadd.s32 s3, s2  }
0x8d: {  	s2 =	sadd.s32 s2, s17  }
0x8e: {  	[smem:$0x3FC5] =	sst s2  }
0x8f: {  	_ = 	snop  }
0x90: {  	s18 =	sld [smem:$0x3FC7];
	(tm) =	ssettm $0x1  }
0x91: {  	s19 =	sld [smem:$0x3FFB];
	_ =	sdelay $0x3  }
0x92: {  	_ =	strace s19  }
0x93: {  	s2 =	sld [smem:$0x3FFC];
	_ =	sdelay $0x3  }
0x94: {  	_ =	strace s2  }
0x95: {  	s2 =	sld [smem:$0x3FFD];
	_ =	sdelay $0x3  }
0x96: {  	_ =	strace s2  }
0x97: {  	_ =	strace $0x8FFFFFFF  }
0x98: {  	s20 =	sld [smem:$0x3FDB];
	_ =	sdelay $0x1  }
0x99: {  	s4 =	simm.s32 $_scs_section_size  }
0x9a: {  	s5 =	simm.s32 $_size__tile_overlayer_lowered;
	s6 =	simm.s32 $_tile_overlayer_lowered  }
0x9b: {  	s7 =	simm.s32 $0x1BFF;
	s21 =	sshll.u32 s6, $0x1;
	s4 =	sadd.s32 s4, s20  }
0x9c: {  	s22 =	simm.s32 $0x0;
	s5 =	sshll.u32 s5, $0x1;
	s6 =	sadd.s32 s21, s4  }
0x9d: {  	[timem:s22], [sflag:s7] =	dma.local [hbm:s6], s5  }
0x9e: {  	_ =	swait.ge [sflag:s7], s5  }
0x9f: {  	s5 =	ssub.s32 $0x0, s5;
	[sflag:s7] =	ssyncset.done $0x0  }
0xa0: {  	[sflag:s7] =	ssyncadd.s32 s5;
	_ =	sdelay $0x1  }
0xa1: {  	s23 =	simm.s32 $0x1B8B  }
0xa2: {  	_ =	swait.ge [sflag:s23], $0x1  }
0xa3: {  	[sflag:s23] =	ssyncset.done $0x0  }
0xa4: {  	[sflag:s23] =	ssyncadd.s32 $0xFFFFFFFF  }
0xa5: {  	s5 =	sld [smem:$0x0]  }
0xa6: {  	s6 =	sand.u32 $0xFFFFFFFE, s1  }
0xa7: {  	p0 =	sne.s32 s1, s6  }
0xa8: {  	s6 =	sshll.u32 @p0 s6, $0xE  }
0xa9: {  	s6 =	sadd.s32 @p0 $0x11B8D, s6;
	s7 =	sshll.u32 @p0 s5, $0x11  }
0xaa: {  	s6 =	sor.u32 @p0 s7, s6  }
0xab: {  	[sflag:s6] =	ssyncadd.remote.s32 @p0 $0x1;
	_ =	sdelay $0x1  }
0xac: {  	s6 =	simm.s32 @p0 $0x1B8D  }
0xad: {  	_ =	swait.eq @p0 [sflag:s6], $0x1  }
0xae: {  	[sflag:s6] =	ssyncadd.s32 @p0 $0xFFFFFFFF  }
0xaf: {  	s7 =	sshll.u32 @!p0 s1, $0xE  }
0xb0: {  	s7 =	sor.u32 @!p0 $0x4000, s7;
	s6 =	simm.s32 @!p0 $0x1B8D  }
0xb1: {  	s5 =	sshll.u32 @!p0 s5, $0x11;
	s7 =	sadd.s32 @!p0 $0x11B8D, s7;
	_ =	swait.eq @!p0 [sflag:s6], $0x1  }
0xb2: {  	s5 =	sor.u32 @!p0 s5, s7;
	[sflag:s6] =	ssyncadd.s32 @!p0 $0xFFFFFFFF  }
0xb3: {  	s25 =	simm.s32 $0x1B8E;
	s24 =	sld [smem:$0x3FFE];
	[sflag:s5] =	ssyncadd.remote.s32 @!p0 $0x1  }
0xb4: {  	s26 =	simm.s32 $execute0_lowered;
	[smem:$0x3FD2] =	sst s25  }
0xb5: {  	s6 =	sshll.u32 s26, $0x1;
	_ =	strace $0x8000004F;
	[dreg:$0x1] =	wrdreg $0xFFFFFFFF  }
0xb6: {  	s28 =	simm.s32 $_size_execute0_lowered;
	s4 =	sadd.s32 s4, s6;
	[dreg:$0x0] =	wrdreg $0x0  }
0xb7: {  	s6 =	sshll.u32 s28, $0x1;
	[dreg:$0x2] =	wrdreg s4  }
0xb8: {  	[dreg:$0x3] =	wrdreg s6  }
0xb9: {  	[dreg:$0x4] =	wrdreg $0xC0  }
0xba: {  	_ =	task [dreg:s22], $0x5FFFF  }
0xbb: {  	[dreg:$0x1] =	wrdreg $0xFFFFFFFF  }
0xbc: {  	[dreg:$0x0] =	wrdreg $0x60  }
0xbd: {  	[dreg:$0x2] =	wrdreg s18  }
0xbe: {  	[dreg:$0x3] =	wrdreg s24  }
0xbf: {  	[dreg:$0x4] =	wrdreg $0x9  }
0xc0: {  	_ =	task.clear_ibuf [dreg:s22], $0x5FFFF;
	_ =	strace $0x9000004F  }
0xc1: {  	s29 =	simm.s32 $0x9;
	_ =	strace $0x80000051  }
0xc2: {  	_ =	swait.ge [sflag:s29], $0x1  }
0xc3: {  	[sflag:s29] =	ssyncadd.s32 $0xFFFFFFFF  }
0xc4: {  	_ =	strace $0x90000051  }
0xc5: {  	_ =	sfence  }
0xc6: {  	s30 =	sld [smem:$0x0];
	_ =	sdelay $0x2  }
0xc7: {  	s31 =	sshll.u32 s1, $0xD;
	s1 =	sshrl.u32 s1, $0x2  }
0xc8: {  	s4 =	sand.u32 $0x4000, s31;
	s1 =	sadd.s32 s1, s30  }
0xc9: {  	s0 =	sor.u32 s4, s0;
	s1 =	sshll.u32 s1, $0x11  }
0xca: {  	s0 =	sor.u32 s1, s0  }
0xcb: {  	s0 =	sadd.s32 $0x8F2B, s0  }
0xcc: {  	[sflag:s0] =	ssyncadd.remote.s32 $0x1  }
0xcd: {  	_ =	sfence.sel $0xFFFF  }
0xce: {  	[dreg:$0x0] =	wrdreg $0xFFFFFFFF;
	(pc) =	sbr.abs _section_cstart, $3  }
0xcf: {  	[dreg:$0x1] =	wrdreg $0xFFFFFFFF  }
0xd0: {  	_ =	task.clear_ibuf [dreg:s22], $0x2FFFF;
	_ =	strace $0x9FFFFFFF  }
0xd1: {  	(tm) =	ssettm $0x7FFFFFFF  }
tec
execute0_lowered:
.L_overlay_start_1:
0x0: {  	(tag) =	ssettag $0x1  }
0x1: {  	s2 =	rddreg [dreg:$0x0]  }
0x2: {  	s8 =	rddreg [dreg:$0x1];
	s3 =	srdreg.scid  }
0x3: {  	s0 =	rddreg [dreg:$0x2];
	s1 =	stileid.u32;
	s11 =	sand.u32 $0x1, s3  }
0x4: {  	s3 =	simm.s32 $0x0;
	s4 =	sshll.u32 s1, $0xE;
	s5 =	sshll.u32 s11, $0xD  }
0x5: {  	s9 =	sadd.s32 $0x183800, s8;
	[smem:$0x7FF] =	sst s3;
	s10 =	sor.u32 s5, s4  }
0x6: {  	_ =	strace $0x80000050;
	s5 =	simm.s32 $0x3;
	s4 =	sadd.s32 s9, s10  }
0x7: {  	[tilespmem:s3], [sflag:$0x3] =	stream.linear.gather [hbm4b:s4+s3], $0x8000, $0x38;
	[tilespmem:$0x18000] =	vst v63  }
0x8: {  	_ =	swait.ge [sflag:s5], $0x8000  }
0x9: {  	[sflag:s5] =	ssyncset.done $0x0  }
0xa: {  	s6 =	simm.s32 $0x8000;
	s7 =	simm.s32 $0x1;
	[sflag:s5] =	ssyncadd.s32 $0xFFFF8000  }
0xb: {  	[tilespmem:s6], [sflag:$0x1] =	stream.indirect.gather [hbm4b:s2+s6], $0x1, s3, s6, $0xb8;
	[tilespmem:$0x18000] =	vst v63  }
0xc: {  	_ =	swait.ge [sflag:s7], $0x8000  }
0xd: {  	s12 =	sadd.s32 $0x1C3800, s8;
	[sflag:s7] =	ssyncset.done $0x0  }
0xe: {  	s8 =	sadd.s32 s12, s10;
	s13 =	sor.u32 $0x1000, s10;
	[sflag:s7] =	ssyncadd.s32 $0xFFFF8000  }
0xf: {  	[hbm4b:s8+s3] =	stream.linear.scatter [tilespmem:s6], [sflag:$0x2], $0x8000, $0x38;
	[tilespmem:$0x18000] =	vst v63  }
0x10: {  	s9 =	sadd.s32 s9, s13  }
0x11: {  	[tilespmem:s3], [sflag:$0x3] =	stream.linear.gather [hbm4b:s9+s3], $0x8000, $0x38;
	[tilespmem:$0x18000] =	vst v63  }
0x12: {  	_ =	swait.ge [sflag:s5], $0x8000  }
0x13: {  	s14 =	ssub.s32 $0x2, s11;
	[sflag:s5] =	ssyncset.done $0x0  }
0x14: {  	s31 =	sshrl.u32 s14, $0x1;
	s10 =	simm.s32 $0x10000;
	[sflag:s5] =	ssyncadd.s32 $0xFFFF8000  }
0x15: {  	[tilespmem:s10], [sflag:$0x1] =	stream.indirect.gather [hbm4b:s2+s6], $0x1, s3, s6, $0xb8;
	[tilespmem:$0x18000] =	vst v63  }
0x16: {  	s12 =	sadd.s32 s12, s13;
	s13 =	ssub.s32 s14, s31;
	_ =	swait.ge [sflag:s7], $0x8000  }
0x17: {  	s13 =	smax.u32 s13, $0x1;
	[sflag:s7] =	ssyncset.done $0x0  }
0x18: {  	s11 =	simm.s32 $0x2;
	p0 =	sne.s32 s13, $0x1;
	[sflag:s7] =	ssyncadd.s32 $0xFFFF8000  }
0x19: {  	[hbm4b:s12+s3] =	stream.linear.scatter [tilespmem:s10], [sflag:$0x2], $0x8000, $0x38;
	[tilespmem:$0x18000] =	vst v63  }
.Ltmp0:
0x1a: {  	_ =	swait.ge [sflag:s11], $0x8000;
	(pc) =	sbr.rel @!p0 .LBB2_2-.Ltmp0, $4  }
0x1b: {  	[sflag:s11] =	ssyncset.done $0x0  }
0x1c: {  	[sflag:s11] =	ssyncadd.s32 $0xFFFF8000  }
0x1d: {  	_ =	swait.ge [sflag:s11], $0x8000  }
0x1e: {  	s13 =	sadd.s32 $0xFFFFFFFF, s13;
	[sflag:s11] =	ssyncset.done $0x0  }
.LBB2_1:
0x1f: {  	p0 =	sne.s32 s13, $0x1;
	s13 =	sadd.s32 $0xFFFFFFFF, s13;
	[sflag:s11] =	ssyncadd.s32 $0xFFFF8000  }
0x20: {  	[tilespmem:s3], [sflag:$0x3] =	stream.linear.gather [hbm4b:s4+s3], $0x8000, $0x38;
	[tilespmem:$0x18000] =	vst v63  }
0x21: {  	_ =	swait.ge [sflag:s5], $0x8000  }
0x22: {  	[sflag:s5] =	ssyncset.done $0x0  }
0x23: {  	[sflag:s5] =	ssyncadd.s32 $0xFFFF8000  }
0x24: {  	[tilespmem:s6], [sflag:$0x1] =	stream.indirect.gather [hbm4b:s2+s6], $0x1, s3, s6, $0xb8;
	[tilespmem:$0x18000] =	vst v63  }
0x25: {  	_ =	swait.ge [sflag:s7], $0x8000  }
0x26: {  	[sflag:s7] =	ssyncset.done $0x0  }
0x27: {  	[sflag:s7] =	ssyncadd.s32 $0xFFFF8000  }
0x28: {  	[hbm4b:s8+s3] =	stream.linear.scatter [tilespmem:s6], [sflag:$0x2], $0x8000, $0x38;
	[tilespmem:$0x18000] =	vst v63  }
0x29: {  	_ = 	snop  }
0x2a: {  	[tilespmem:s3], [sflag:$0x3] =	stream.linear.gather [hbm4b:s9+s3], $0x8000, $0x38;
	[tilespmem:$0x18000] =	vst v63  }
0x2b: {  	_ =	swait.ge [sflag:s5], $0x8000  }
0x2c: {  	[sflag:s5] =	ssyncset.done $0x0  }
0x2d: {  	[sflag:s5] =	ssyncadd.s32 $0xFFFF8000  }
0x2e: {  	[tilespmem:s10], [sflag:$0x1] =	stream.indirect.gather [hbm4b:s2+s6], $0x1, s3, s6, $0xb8;
	[tilespmem:$0x18000] =	vst v63  }
0x2f: {  	_ =	swait.ge [sflag:s7], $0x8000  }
0x30: {  	[sflag:s7] =	ssyncset.done $0x0  }
0x31: {  	[sflag:s7] =	ssyncadd.s32 $0xFFFF8000  }
0x32: {  	[hbm4b:s12+s3] =	stream.linear.scatter [tilespmem:s10], [sflag:$0x2], $0x8000, $0x38;
	[tilespmem:$0x18000] =	vst v63  }
.Ltmp1:
0x33: {  	_ =	swait.ge [sflag:s11], $0x8000;
	(pc) =	sbr.rel @p0 .LBB2_1-.Ltmp1, $4  }
0x34: {  	[sflag:s11] =	ssyncset.done $0x0  }
0x35: {  	[sflag:s11] =	ssyncadd.s32 $0xFFFF8000  }
0x36: {  	_ =	swait.ge [sflag:s11], $0x8000  }
0x37: {  	[sflag:s11] =	ssyncset.done $0x0  }
.LBB2_2:
0x38: {  	[sflag:s11] =	ssyncadd.s32 $0xFFFF8000  }
0x39: {  	_ =	sfence.sel $0x180000  }
0x3a: {  	[bflag:$0x0] =	sbarrier.arrive $0xFFFF  }
0x3b: {  	p0 =	sne.s32 s1, $0x0;
	_ =	strace $0x90000050  }
0x3c: {  	s0 =	sadd.s32 @!p0 $0x100000, s0;
	[bflag:$0x2] =	sbarrier.arrive $0xFFFF  }
0x3d: {  	[sflag:s0] =	ssyncadd.tile.s32 @!p0 $0x1;
	_ =	shalt  }
.Lfunc_end2:
_tile_overlayer_lowered:
.L_overlay_start_2:
0x3e: {  	(tag) =	ssettag $0x2  }
0x3f: {  	s0 =	rddreg [dreg:$0x0];
	s2 =	stileid.u32  }
0x40: {  	s1 =	rddreg [dreg:$0x1];
	p0 =	sne.s32 s2, $0x0  }
0x41: {  	s3 =	rddreg [dreg:$0x2];
	[bflag:$0x3] =	sbarrier.arrive $0xFFFF;
	s2 =	simm.s32 @!p0 $0x1C03  }
0x42: {  	[timem:s3], [sflag:s2] =	dma.local @!p0 [hbm:s0], s1  }
0x43: {  	s0 =	simm.s32 @!p0 $0x3  }
0x44: {  	_ =	swait.ge @!p0 [sflag:s0], s1  }
0x45: {  	s1 =	ssub.s32 @!p0 $0x0, s1;
	[sflag:s0] =	ssyncset.done @!p0 $0x0  }
0x46: {  	[sflag:s0] =	ssyncadd.s32 @!p0 s1  }
0x47: {  	[bflag:$0x3] =	sbarrier.arrive $0xFFFF  }
0x48: {  	_ =	shalt  }

// kernel: kernel.17.cloned.1.call-start
scs
__scs_entry_jumppad:
0x0: {  	(pc) =	sbr.rel $0x88, $3  }
0x1: {  	(tag) =	ssettag $0x0;
	lr =	simm.s32 $0x1  }
0x2: {  	[smem:$0x3F9E] =	sst lr;
	_ =	strace $0xD0000000  }
0x3: {  	_ = 	snop  }
0x4: {  	_ = 	snop  }
0x5: {  	_ = 	snop  }
0x6: {  	_ = 	snop  }
0x7: {  	_ = 	snop  }
__scs_overlays_trampoline_lowered:
0x8: {  	[smem:$0x3FAD] =	sst s0  }
0x9: {  	[smem:$0x3FAE] =	sst s1  }
0xa: {  	[smem:$0x3FAF] =	sst s2  }
0xb: {  	[smem:$0x3FB0] =	sst s3  }
0xc: {  	[smem:$0x3FB1] =	sst s4  }
0xd: {  	[smem:$0x3FB2] =	sst s5  }
0xe: {  	[smem:$0x3FB3] =	sst s6  }
0xf: {  	[smem:$0x3FB4] =	sst s7  }
0x10: {  	[smem:$0x3FB5] =	sst s8  }
0x11: {  	[smem:$0x3FB6] =	sst s9;
	s0 =	simm.s32 @!p0 $0x0  }
0x12: {  	s1 =	sld [smem:$0x3F9C];
	s0 =	simm.s32 @p0 $0x1  }
0x13: {  	[smem:$0x3FB7] =	sst s0;
	s0 =	simm.s32 @!p1 $0x0  }
0x14: {  	s2 =	sld [smem:$0x3F9B];
	s0 =	simm.s32 @p1 $0x1  }
0x15: {  	[smem:$0x3FB8] =	sst s0;
	s0 =	simm.s32 @!p2 $0x0  }
0x16: {  	s3 =	sld [smem:$0x3FDB];
	s0 =	simm.s32 @p2 $0x1  }
0x17: {  	s4 =	simm.s32 $0x1BF5;
	[smem:$0x3FBA] =	sst s0  }
0x18: {  	s0 =	sld [smem:$0x3F9D];
	_ =	swait.ge [sflag:s4], $0x0  }
0x19: {  	s7 =	sld [smem:$0x3F9E]  }
0x1a: {  	s8 =	sadd.s32 $0xFFFFE003, lr  }
0x1b: {  	s9 =	sadd.s32 $0xFFFFFEF7, lr;
	s5 =	simm.s32 $0xFFFFFFFF;
	p2 =	slt.u32 s8, $0xFFFFF086  }
0x1c: {  	p1 =	slt.u32 s9, $0xF7A;
	s5 =	simm.s32 @!p2 $0x0  }
0x1d: {  	s5 =	simm.s32 @p1 $0x1;
	p0 =	seq.s32 s7, s2  }
0x1e: {  	s7 =	smul.u32 @!p0 $0xF7A, s2;
	p2 =	seq.s32 @!p0 s5, $0x0  }
0x1f: {  	s9 =	smul.u32 $0xF7A, s1;
	s8 =	simm.s32 @!p0 $0x1BF5;
	p2 =	por !p2, p0  }
0x20: {  	[sflag:s8] =	ssyncset.s32 @!p0 $0xFFFFF086;
	s6 =	sadd.s32 @!p0 s3, s7;
	s7 =	simm.s32 @!p0 $0x108  }
0x21: {  	s3 =	sadd.s32 s3, s9;
	s6 =	sadd.s32 @!p0 $0x88, s6;
	s7 =	simm.s32 @p2 $0x1082  }
0x22: {  	[simem:s7], [sflag:s8] =	dma.local @!p0 [hbm:s6], $0xF7A  }
0x23: {  	s9 =	sor.u32 $0xD0000000, s2;
	s6 =	simm.s32 $0x108;
	_ =	swait.ge @!p0 [sflag:s8], $0x0  }
0x24: {  	s3 =	sadd.s32 $0x88, s3;
	s6 =	simm.s32 @!p1 $0x1082;
	[sflag:s4] =	ssyncset.s32 $0xFFFFF086  }
0x25: {  	[simem:s6], [sflag:s4] =	dma.local [hbm:s3], $0xF7A  }
0x26: {  	[smem:$0x3F9E] =	sst s1;
	(tag) =	ssettag s2;
	_ =	strace s9  }
0x27: {  	s1 =	sld [smem:$0x3FAE]  }
0x28: {  	s2 =	sld [smem:$0x3FAF]  }
0x29: {  	s4 =	sld [smem:$0x3FB1]  }
0x2a: {  	p0 =	seq.s32 s5, $0x0;
	s5 =	sld [smem:$0x3FB2]  }
0x2b: {  	s6 =	sld [smem:$0x3FB3]  }
0x2c: {  	s7 =	sld [smem:$0x3FB4]  }
0x2d: {  	s3 =	simm.s32 $0x108;
	s8 =	sld [smem:$0x3FB5]  }
0x2e: {  	s3 =	simm.s32 @!p0 $0x1082;
	s9 =	sld [smem:$0x3FB6]  }
0x2f: {  	lr =	sadd.s32 s0, s3;
	s0 =	sld [smem:$0x3FAD]  }
0x30: {  	s3 =	sld [smem:$0x3FB0]  }
0x31: {  	[smem:$0x3FB9] =	sst s10  }
0x32: {  	s10 =	sld [smem:$0x3FB7];
	_ =	sdelay $0x3  }
0x33: {  	p0 =	seq.s32 s10, $0x1;
	s10 =	sld [smem:$0x3FB9];
	_ =	sdelay $0x3  }
0x34: {  	[smem:$0x3FB9] =	sst s10  }
0x35: {  	s10 =	sld [smem:$0x3FB8];
	_ =	sdelay $0x3  }
0x36: {  	p1 =	seq.s32 s10, $0x1;
	s10 =	sld [smem:$0x3FB9];
	_ =	sdelay $0x3  }
0x37: {  	[smem:$0x3FB9] =	sst s10  }
0x38: {  	s10 =	sld [smem:$0x3FBA]  }
0x39: {  	_ = 	snop;
	(pc) =	sbr.ind lr, $3  }
0x3a: {  	_ = 	snop  }
0x3b: {  	_ = 	snop  }
0x3c: {  	p2 =	seq.s32 s10, $0x1;
	s10 =	sld [smem:$0x3FB9]  }
0x3d: {  	_ =	shalt  }
0x3e: {  	_ =	shalt  }
0x3f: {  	_ =	shalt  }
0x40: {  	_ =	shalt  }
0x41: {  	_ =	shalt  }
0x42: {  	_ =	shalt  }
0x43: {  	_ =	shalt  }
0x44: {  	_ =	shalt  }
0x45: {  	_ =	shalt  }
0x46: {  	_ =	shalt  }
0x47: {  	_ =	shalt  }
0x48: {  	_ =	shalt  }
0x49: {  	_ =	shalt  }
0x4a: {  	_ =	shalt  }
0x4b: {  	_ =	shalt  }
0x4c: {  	_ =	shalt  }
0x4d: {  	_ =	shalt  }
0x4e: {  	_ =	shalt  }
0x4f: {  	_ =	shalt  }
0x50: {  	_ =	shalt  }
0x51: {  	_ =	shalt  }
0x52: {  	_ =	shalt  }
0x53: {  	_ =	shalt  }
0x54: {  	_ =	shalt  }
0x55: {  	_ =	shalt  }
0x56: {  	_ =	shalt  }
0x57: {  	_ =	shalt  }
0x58: {  	_ =	shalt  }
0x59: {  	_ =	shalt  }
0x5a: {  	_ =	shalt  }
0x5b: {  	_ =	shalt  }
0x5c: {  	_ =	shalt  }
0x5d: {  	_ =	shalt  }
0x5e: {  	_ =	shalt  }
0x5f: {  	_ =	shalt  }
0x60: {  	_ =	shalt  }
0x61: {  	_ =	shalt  }
0x62: {  	_ =	shalt  }
0x63: {  	_ =	shalt  }
0x64: {  	_ =	shalt  }
0x65: {  	_ =	shalt  }
0x66: {  	_ =	shalt  }
0x67: {  	_ =	shalt  }
0x68: {  	_ =	shalt  }
0x69: {  	_ =	shalt  }
0x6a: {  	_ =	shalt  }
0x6b: {  	_ =	shalt  }
0x6c: {  	_ =	shalt  }
0x6d: {  	_ =	shalt  }
0x6e: {  	_ =	shalt  }
0x6f: {  	_ =	shalt  }
0x70: {  	_ =	shalt  }
0x71: {  	_ =	shalt  }
0x72: {  	_ =	shalt  }
0x73: {  	_ =	shalt  }
0x74: {  	_ =	shalt  }
0x75: {  	_ =	shalt  }
0x76: {  	_ =	shalt  }
0x77: {  	_ =	shalt  }
0x78: {  	_ =	shalt  }
0x79: {  	_ =	shalt  }
0x7a: {  	_ =	shalt  }
0x7b: {  	_ =	shalt  }
0x7c: {  	_ =	shalt  }
0x7d: {  	_ =	shalt  }
0x7e: {  	_ =	shalt  }
0x7f: {  	_ =	shalt  }
0x80: {  	_ =	shalt  }
0x81: {  	_ =	shalt  }
0x82: {  	_ =	shalt  }
0x83: {  	_ =	shalt  }
0x84: {  	_ =	shalt  }
0x85: {  	_ =	shalt  }
0x86: {  	_ =	shalt  }
0x87: {  	_ =	shalt  }
.Lfunc_end0:
.L_simem_size_0:
called_computation.1_lowered:
.L_overlay_start_0:
0x88: {  	s2 =	sld [smem:$0x3FD9]  }
0x89: {  	s3 =	sld [smem:$0x3FFE];
	_ =	sdelay $0x1  }
0x8a: {  	s1 =	srdreg.scid  }
0x8b: {  	s0 =	sand.u32 $0x1, s1  }
0x8c: {  	s17 =	sshll.u32 s0, $0xA;
	s2 =	sadd.s32 s3, s2  }
0x8d: {  	s2 =	sadd.s32 s2, s17  }
0x8e: {  	[smem:$0x3FC5] =	sst s2  }
0x8f: {  	_ = 	snop  }
0x90: {  	s2 =	sld [smem:$0x3FC7];
	(tm) =	ssettm $0x1  }
0x91: {  	s18 =	sld [smem:$0x3FFB];
	_ =	sdelay $0x3  }
0x92: {  	_ =	strace s18  }
0x93: {  	s3 =	sld [smem:$0x3FFC];
	_ =	sdelay $0x3  }
0x94: {  	_ =	strace s3  }
0x95: {  	s3 =	sld [smem:$0x3FFD];
	_ =	sdelay $0x3  }
0x96: {  	_ =	strace s3  }
0x97: {  	_ =	strace $0x8FFFFFFF  }
0x98: {  	s19 =	sld [smem:$0x3FDB];
	_ =	sdelay $0x1  }
0x99: {  	s4 =	simm.s32 $_scs_section_size  }
0x9a: {  	s5 =	simm.s32 $_size__tile_overlayer_lowered;
	s6 =	simm.s32 $_tile_overlayer_lowered  }
0x9b: {  	s22 =	simm.s32 $0x1BFF;
	s21 =	sshll.u32 s6, $0x1;
	s3 =	sadd.s32 s4, s19  }
0x9c: {  	s7 =	simm.s32 $0x0;
	s20 =	sshll.u32 s5, $0x1;
	s5 =	sadd.s32 s21, s3  }
0x9d: {  	[timem:s7], [sflag:s22] =	dma.local [hbm:s5], s20  }
0x9e: {  	_ =	swait.ge [sflag:s22], s20  }
0x9f: {  	s4 =	ssub.s32 $0x0, s20;
	[sflag:s22] =	ssyncset.done $0x0  }
0xa0: {  	[sflag:s22] =	ssyncadd.s32 s4;
	_ =	sdelay $0x1  }
0xa1: {  	s23 =	simm.s32 $0x1B8B  }
0xa2: {  	_ =	swait.ge [sflag:s23], $0x1  }
0xa3: {  	[sflag:s23] =	ssyncset.done $0x0  }
0xa4: {  	s25 =	simm.s32 $0x1B8E;
	s24 =	sld [smem:$0x3FFE];
	[sflag:s23] =	ssyncadd.s32 $0xFFFFFFFF  }
0xa5: {  	s26 =	simm.s32 $execute0_lowered;
	[smem:$0x3FD2] =	sst s25  }
0xa6: {  	s5 =	sshll.u32 s26, $0x1;
	_ =	strace $0x80000046;
	[dreg:$0x1] =	wrdreg $0xFFFFFFFF  }
0xa7: {  	s28 =	simm.s32 $_size_execute0_lowered;
	s3 =	sadd.s32 s3, s5;
	[dreg:$0x0] =	wrdreg $0x0  }
0xa8: {  	s5 =	sshll.u32 s28, $0x1;
	[dreg:$0x2] =	wrdreg s3  }
0xa9: {  	[dreg:$0x3] =	wrdreg s5  }
0xaa: {  	[dreg:$0x4] =	wrdreg $0xC0  }
0xab: {  	_ =	task [dreg:s7], $0x5FFFF  }
0xac: {  	[dreg:$0x1] =	wrdreg $0xFFFFFFFF  }
0xad: {  	[dreg:$0x0] =	wrdreg $0x60  }
0xae: {  	[dreg:$0x2] =	wrdreg s2  }
0xaf: {  	[dreg:$0x3] =	wrdreg s24  }
0xb0: {  	[dreg:$0x4] =	wrdreg $0xA  }
0xb1: {  	_ =	task.clear_ibuf [dreg:s7], $0x5FFFF;
	_ =	strace $0x90000046  }
0xb2: {  	s29 =	simm.s32 $0xA;
	_ =	strace $0x80000048  }
0xb3: {  	_ =	swait.ge [sflag:s29], $0x1  }
0xb4: {  	[sflag:s29] =	ssyncadd.s32 $0xFFFFFFFF  }
0xb5: {  	_ =	strace $0x90000048  }
0xb6: {  	_ =	sfence  }
0xb7: {  	s30 =	sld [smem:$0x0];
	_ =	sdelay $0x2  }
0xb8: {  	s31 =	sshll.u32 s1, $0xD;
	s1 =	sshrl.u32 s1, $0x2  }
0xb9: {  	s3 =	sand.u32 $0x4000, s31;
	s1 =	sadd.s32 s1, s30  }
0xba: {  	s0 =	sor.u32 s3, s0;
	s1 =	sshll.u32 s1, $0x11  }
0xbb: {  	s0 =	sor.u32 s1, s0  }
0xbc: {  	s0 =	sadd.s32 $0x8F2B, s0  }
0xbd: {  	[sflag:s0] =	ssyncadd.remote.s32 $0x1  }
0xbe: {  	_ =	sfence.sel $0xFFFF  }
0xbf: {  	[dreg:$0x0] =	wrdreg $0xFFFFFFFF;
	(pc) =	sbr.abs _section_cstart, $3  }
0xc0: {  	[dreg:$0x1] =	wrdreg $0xFFFFFFFF  }
0xc1: {  	_ =	task.clear_ibuf [dreg:s7], $0x2FFFF;
	_ =	strace $0x9FFFFFFF  }
0xc2: {  	(tm) =	ssettm $0x7FFFFFFF  }
0xc3: {  	_ =	shalt  }
tec
execute0_lowered:
.L_overlay_start_1:
0x0: {  	(tag) =	ssettag $0x1  }
0x1: {  	s2 =	rddreg [dreg:$0x0]  }
0x2: {  	s8 =	rddreg [dreg:$0x1];
	s3 =	srdreg.scid  }
0x3: {  	s0 =	rddreg [dreg:$0x2];
	s1 =	stileid.u32;
	s11 =	sand.u32 $0x1, s3  }
0x4: {  	s3 =	simm.s32 $0x0;
	s4 =	sshll.u32 s1, $0xE;
	s5 =	sshll.u32 s11, $0xD  }
0x5: {  	s9 =	sadd.s32 $0x3800, s8;
	[smem:$0x7FF] =	sst s3;
	s10 =	sor.u32 s5, s4  }
0x6: {  	_ =	strace $0x80000047;
	s5 =	simm.s32 $0x3;
	s4 =	sadd.s32 s9, s10  }
0x7: {  	[tilespmem:s3], [sflag:$0x3] =	stream.linear.gather [hbm4b:s4+s3], $0x8000, $0x38;
	[tilespmem:$0x18000] =	vst v63  }
0x8: {  	_ =	swait.ge [sflag:s5], $0x8000  }
0x9: {  	[sflag:s5] =	ssyncset.done $0x0  }
0xa: {  	s6 =	simm.s32 $0x8000;
	s7 =	simm.s32 $0x1;
	[sflag:s5] =	ssyncadd.s32 $0xFFFF8000  }
0xb: {  	[tilespmem:s6], [sflag:$0x1] =	stream.indirect.gather [hbm4b:s2+s6], $0x1, s3, s6, $0xb8;
	[tilespmem:$0x18000] =	vst v63  }
0xc: {  	_ =	swait.ge [sflag:s7], $0x8000  }
0xd: {  	s12 =	sadd.s32 $0x43800, s8;
	[sflag:s7] =	ssyncset.done $0x0  }
0xe: {  	s8 =	sadd.s32 s12, s10;
	s13 =	sor.u32 $0x1000, s10;
	[sflag:s7] =	ssyncadd.s32 $0xFFFF8000  }
0xf: {  	[hbm4b:s8+s3] =	stream.linear.scatter [tilespmem:s6], [sflag:$0x2], $0x8000, $0x38;
	[tilespmem:$0x18000] =	vst v63  }
0x10: {  	s9 =	sadd.s32 s9, s13  }
0x11: {  	[tilespmem:s3], [sflag:$0x3] =	stream.linear.gather [hbm4b:s9+s3], $0x8000, $0x38;
	[tilespmem:$0x18000] =	vst v63  }
0x12: {  	_ =	swait.ge [sflag:s5], $0x8000  }
0x13: {  	s14 =	ssub.s32 $0x2, s11;
	[sflag:s5] =	ssyncset.done $0x0  }
0x14: {  	s31 =	sshrl.u32 s14, $0x1;
	s10 =	simm.s32 $0x10000;
	[sflag:s5] =	ssyncadd.s32 $0xFFFF8000  }
0x15: {  	[tilespmem:s10], [sflag:$0x1] =	stream.indirect.gather [hbm4b:s2+s6], $0x1, s3, s6, $0xb8;
	[tilespmem:$0x18000] =	vst v63  }
0x16: {  	s12 =	sadd.s32 s12, s13;
	s13 =	ssub.s32 s14, s31;
	_ =	swait.ge [sflag:s7], $0x8000  }
0x17: {  	s13 =	smax.u32 s13, $0x1;
	[sflag:s7] =	ssyncset.done $0x0  }
0x18: {  	s11 =	simm.s32 $0x2;
	p0 =	sne.s32 s13, $0x1;
	[sflag:s7] =	ssyncadd.s32 $0xFFFF8000  }
0x19: {  	[hbm4b:s12+s3] =	stream.linear.scatter [tilespmem:s10], [sflag:$0x2], $0x8000, $0x38;
	[tilespmem:$0x18000] =	vst v63  }
.Ltmp0:
0x1a: {  	_ =	swait.ge [sflag:s11], $0x8000;
	(pc) =	sbr.rel @!p0 .LBB2_2-.Ltmp0, $4  }
0x1b: {  	[sflag:s11] =	ssyncset.done $0x0  }
0x1c: {  	[sflag:s11] =	ssyncadd.s32 $0xFFFF8000  }
0x1d: {  	_ =	swait.ge [sflag:s11], $0x8000  }
0x1e: {  	s13 =	sadd.s32 $0xFFFFFFFF, s13;
	[sflag:s11] =	ssyncset.done $0x0  }
.LBB2_1:
0x1f: {  	p0 =	sne.s32 s13, $0x1;
	s13 =	sadd.s32 $0xFFFFFFFF, s13;
	[sflag:s11] =	ssyncadd.s32 $0xFFFF8000  }
0x20: {  	[tilespmem:s3], [sflag:$0x3] =	stream.linear.gather [hbm4b:s4+s3], $0x8000, $0x38;
	[tilespmem:$0x18000] =	vst v63  }
0x21: {  	_ =	swait.ge [sflag:s5], $0x8000  }
0x22: {  	[sflag:s5] =	ssyncset.done $0x0  }
0x23: {  	[sflag:s5] =	ssyncadd.s32 $0xFFFF8000  }
0x24: {  	[tilespmem:s6], [sflag:$0x1] =	stream.indirect.gather [hbm4b:s2+s6], $0x1, s3, s6, $0xb8;
	[tilespmem:$0x18000] =	vst v63  }
0x25: {  	_ =	swait.ge [sflag:s7], $0x8000  }
0x26: {  	[sflag:s7] =	ssyncset.done $0x0  }
0x27: {  	[sflag:s7] =	ssyncadd.s32 $0xFFFF8000  }
0x28: {  	[hbm4b:s8+s3] =	stream.linear.scatter [tilespmem:s6], [sflag:$0x2], $0x8000, $0x38;
	[tilespmem:$0x18000] =	vst v63  }
0x29: {  	_ = 	snop  }
0x2a: {  	[tilespmem:s3], [sflag:$0x3] =	stream.linear.gather [hbm4b:s9+s3], $0x8000, $0x38;
	[tilespmem:$0x18000] =	vst v63  }
0x2b: {  	_ =	swait.ge [sflag:s5], $0x8000  }
0x2c: {  	[sflag:s5] =	ssyncset.done $0x0  }
0x2d: {  	[sflag:s5] =	ssyncadd.s32 $0xFFFF8000  }
0x2e: {  	[tilespmem:s10], [sflag:$0x1] =	stream.indirect.gather [hbm4b:s2+s6], $0x1, s3, s6, $0xb8;
	[tilespmem:$0x18000] =	vst v63  }
0x2f: {  	_ =	swait.ge [sflag:s7], $0x8000  }
0x30: {  	[sflag:s7] =	ssyncset.done $0x0  }
0x31: {  	[sflag:s7] =	ssyncadd.s32 $0xFFFF8000  }
0x32: {  	[hbm4b:s12+s3] =	stream.linear.scatter [tilespmem:s10], [sflag:$0x2], $0x8000, $0x38;
	[tilespmem:$0x18000] =	vst v63  }
.Ltmp1:
0x33: {  	_ =	swait.ge [sflag:s11], $0x8000;
	(pc) =	sbr.rel @p0 .LBB2_1-.Ltmp1, $4  }
0x34: {  	[sflag:s11] =	ssyncset.done $0x0  }
0x35: {  	[sflag:s11] =	ssyncadd.s32 $0xFFFF8000  }
0x36: {  	_ =	swait.ge [sflag:s11], $0x8000  }
0x37: {  	[sflag:s11] =	ssyncset.done $0x0  }
.LBB2_2:
0x38: {  	[sflag:s11] =	ssyncadd.s32 $0xFFFF8000  }
0x39: {  	_ =	sfence.sel $0x180000  }
0x3a: {  	[bflag:$0x0] =	sbarrier.arrive $0xFFFF  }
0x3b: {  	p0 =	sne.s32 s1, $0x0;
	_ =	strace $0x90000047  }
0x3c: {  	s0 =	sadd.s32 @!p0 $0x100000, s0;
	[bflag:$0x2] =	sbarrier.arrive $0xFFFF  }
0x3d: {  	[sflag:s0] =	ssyncadd.tile.s32 @!p0 $0x1;
	_ =	shalt  }
.Lfunc_end2:
_tile_overlayer_lowered:
.L_overlay_start_2:
0x3e: {  	(tag) =	ssettag $0x2  }
0x3f: {  	s0 =	rddreg [dreg:$0x0];
	s2 =	stileid.u32  }
0x40: {  	s1 =	rddreg [dreg:$0x1];
	p0 =	sne.s32 s2, $0x0  }
0x41: {  	s3 =	rddreg [dreg:$0x2];
	[bflag:$0x3] =	sbarrier.arrive $0xFFFF;
	s2 =	simm.s32 @!p0 $0x1C03  }
0x42: {  	[timem:s3], [sflag:s2] =	dma.local @!p0 [hbm:s0], s1  }
0x43: {  	s0 =	simm.s32 @!p0 $0x3  }
0x44: {  	_ =	swait.ge @!p0 [sflag:s0], s1  }
0x45: {  	s1 =	ssub.s32 @!p0 $0x0, s1;
	[sflag:s0] =	ssyncset.done @!p0 $0x0  }
0x46: {  	[sflag:s0] =	ssyncadd.s32 @!p0 s1  }
0x47: {  	[bflag:$0x3] =	sbarrier.arrive $0xFFFF  }
0x48: {  	_ =	shalt  }

// kernel: kernel.20.cloned.1.call-start
scs
__scs_entry_jumppad:
0x0: {  	(pc) =	sbr.rel $0x88, $3  }
0x1: {  	(tag) =	ssettag $0x0;
	lr =	simm.s32 $0x1  }
0x2: {  	[smem:$0x3F9E] =	sst lr;
	_ =	strace $0xD0000000  }
0x3: {  	_ = 	snop  }
0x4: {  	_ = 	snop  }
0x5: {  	_ = 	snop  }
0x6: {  	_ = 	snop  }
0x7: {  	_ = 	snop  }
__scs_overlays_trampoline_lowered:
0x8: {  	[smem:$0x3FAD] =	sst s0  }
0x9: {  	[smem:$0x3FAE] =	sst s1  }
0xa: {  	[smem:$0x3FAF] =	sst s2  }
0xb: {  	[smem:$0x3FB0] =	sst s3  }
0xc: {  	[smem:$0x3FB1] =	sst s4  }
0xd: {  	[smem:$0x3FB2] =	sst s5  }
0xe: {  	[smem:$0x3FB3] =	sst s6  }
0xf: {  	[smem:$0x3FB4] =	sst s7  }
0x10: {  	[smem:$0x3FB5] =	sst s8  }
0x11: {  	[smem:$0x3FB6] =	sst s9;
	s0 =	simm.s32 @!p0 $0x0  }
0x12: {  	s1 =	sld [smem:$0x3F9C];
	s0 =	simm.s32 @p0 $0x1  }
0x13: {  	[smem:$0x3FB7] =	sst s0;
	s0 =	simm.s32 @!p1 $0x0  }
0x14: {  	s2 =	sld [smem:$0x3F9B];
	s0 =	simm.s32 @p1 $0x1  }
0x15: {  	[smem:$0x3FB8] =	sst s0;
	s0 =	simm.s32 @!p2 $0x0  }
0x16: {  	s3 =	sld [smem:$0x3FDB];
	s0 =	simm.s32 @p2 $0x1  }
0x17: {  	s4 =	simm.s32 $0x1BF5;
	[smem:$0x3FBA] =	sst s0  }
0x18: {  	s0 =	sld [smem:$0x3F9D];
	_ =	swait.ge [sflag:s4], $0x0  }
0x19: {  	s7 =	sld [smem:$0x3F9E]  }
0x1a: {  	s8 =	sadd.s32 $0xFFFFE003, lr  }
0x1b: {  	s9 =	sadd.s32 $0xFFFFFEF7, lr;
	s5 =	simm.s32 $0xFFFFFFFF;
	p2 =	slt.u32 s8, $0xFFFFF086  }
0x1c: {  	p1 =	slt.u32 s9, $0xF7A;
	s5 =	simm.s32 @!p2 $0x0  }
0x1d: {  	s5 =	simm.s32 @p1 $0x1;
	p0 =	seq.s32 s7, s2  }
0x1e: {  	s7 =	smul.u32 @!p0 $0xF7A, s2;
	p2 =	seq.s32 @!p0 s5, $0x0  }
0x1f: {  	s9 =	smul.u32 $0xF7A, s1;
	s8 =	simm.s32 @!p0 $0x1BF5;
	p2 =	por !p2, p0  }
0x20: {  	[sflag:s8] =	ssyncset.s32 @!p0 $0xFFFFF086;
	s6 =	sadd.s32 @!p0 s3, s7;
	s7 =	simm.s32 @!p0 $0x108  }
0x21: {  	s3 =	sadd.s32 s3, s9;
	s6 =	sadd.s32 @!p0 $0x88, s6;
	s7 =	simm.s32 @p2 $0x1082  }
0x22: {  	[simem:s7], [sflag:s8] =	dma.local @!p0 [hbm:s6], $0xF7A  }
0x23: {  	s9 =	sor.u32 $0xD0000000, s2;
	s6 =	simm.s32 $0x108;
	_ =	swait.ge @!p0 [sflag:s8], $0x0  }
0x24: {  	s3 =	sadd.s32 $0x88, s3;
	s6 =	simm.s32 @!p1 $0x1082;
	[sflag:s4] =	ssyncset.s32 $0xFFFFF086  }
0x25: {  	[simem:s6], [sflag:s4] =	dma.local [hbm:s3], $0xF7A  }
0x26: {  	[smem:$0x3F9E] =	sst s1;
	(tag) =	ssettag s2;
	_ =	strace s9  }
0x27: {  	s1 =	sld [smem:$0x3FAE]  }
0x28: {  	s2 =	sld [smem:$0x3FAF]  }
0x29: {  	s4 =	sld [smem:$0x3FB1]  }
0x2a: {  	p0 =	seq.s32 s5, $0x0;
	s5 =	sld [smem:$0x3FB2]  }
0x2b: {  	s6 =	sld [smem:$0x3FB3]  }
0x2c: {  	s7 =	sld [smem:$0x3FB4]  }
0x2d: {  	s3 =	simm.s32 $0x108;
	s8 =	sld [smem:$0x3FB5]  }
0x2e: {  	s3 =	simm.s32 @!p0 $0x1082;
	s9 =	sld [smem:$0x3FB6]  }
0x2f: {  	lr =	sadd.s32 s0, s3;
	s0 =	sld [smem:$0x3FAD]  }
0x30: {  	s3 =	sld [smem:$0x3FB0]  }
0x31: {  	[smem:$0x3FB9] =	sst s10  }
0x32: {  	s10 =	sld [smem:$0x3FB7];
	_ =	sdelay $0x3  }
0x33: {  	p0 =	seq.s32 s10, $0x1;
	s10 =	sld [smem:$0x3FB9];
	_ =	sdelay $0x3  }
0x34: {  	[smem:$0x3FB9] =	sst s10  }
0x35: {  	s10 =	sld [smem:$0x3FB8];
	_ =	sdelay $0x3  }
0x36: {  	p1 =	seq.s32 s10, $0x1;
	s10 =	sld [smem:$0x3FB9];
	_ =	sdelay $0x3  }
0x37: {  	[smem:$0x3FB9] =	sst s10  }
0x38: {  	s10 =	sld [smem:$0x3FBA]  }
0x39: {  	_ = 	snop;
	(pc) =	sbr.ind lr, $3  }
0x3a: {  	_ = 	snop  }
0x3b: {  	_ = 	snop  }
0x3c: {  	p2 =	seq.s32 s10, $0x1;
	s10 =	sld [smem:$0x3FB9]  }
0x3d: {  	_ =	shalt  }
0x3e: {  	_ =	shalt  }
0x3f: {  	_ =	shalt  }
0x40: {  	_ =	shalt  }
0x41: {  	_ =	shalt  }
0x42: {  	_ =	shalt  }
0x43: {  	_ =	shalt  }
0x44: {  	_ =	shalt  }
0x45: {  	_ =	shalt  }
0x46: {  	_ =	shalt  }
0x47: {  	_ =	shalt  }
0x48: {  	_ =	shalt  }
0x49: {  	_ =	shalt  }
0x4a: {  	_ =	shalt  }
0x4b: {  	_ =	shalt  }
0x4c: {  	_ =	shalt  }
0x4d: {  	_ =	shalt  }
0x4e: {  	_ =	shalt  }
0x4f: {  	_ =	shalt  }
0x50: {  	_ =	shalt  }
0x51: {  	_ =	shalt  }
0x52: {  	_ =	shalt  }
0x53: {  	_ =	shalt  }
0x54: {  	_ =	shalt  }
0x55: {  	_ =	shalt  }
0x56: {  	_ =	shalt  }
0x57: {  	_ =	shalt  }
0x58: {  	_ =	shalt  }
0x59: {  	_ =	shalt  }
0x5a: {  	_ =	shalt  }
0x5b: {  	_ =	shalt  }
0x5c: {  	_ =	shalt  }
0x5d: {  	_ =	shalt  }
0x5e: {  	_ =	shalt  }
0x5f: {  	_ =	shalt  }
0x60: {  	_ =	shalt  }
0x61: {  	_ =	shalt  }
0x62: {  	_ =	shalt  }
0x63: {  	_ =	shalt  }
0x64: {  	_ =	shalt  }
0x65: {  	_ =	shalt  }
0x66: {  	_ =	shalt  }
0x67: {  	_ =	shalt  }
0x68: {  	_ =	shalt  }
0x69: {  	_ =	shalt  }
0x6a: {  	_ =	shalt  }
0x6b: {  	_ =	shalt  }
0x6c: {  	_ =	shalt  }
0x6d: {  	_ =	shalt  }
0x6e: {  	_ =	shalt  }
0x6f: {  	_ =	shalt  }
0x70: {  	_ =	shalt  }
0x71: {  	_ =	shalt  }
0x72: {  	_ =	shalt  }
0x73: {  	_ =	shalt  }
0x74: {  	_ =	shalt  }
0x75: {  	_ =	shalt  }
0x76: {  	_ =	shalt  }
0x77: {  	_ =	shalt  }
0x78: {  	_ =	shalt  }
0x79: {  	_ =	shalt  }
0x7a: {  	_ =	shalt  }
0x7b: {  	_ =	shalt  }
0x7c: {  	_ =	shalt  }
0x7d: {  	_ =	shalt  }
0x7e: {  	_ =	shalt  }
0x7f: {  	_ =	shalt  }
0x80: {  	_ =	shalt  }
0x81: {  	_ =	shalt  }
0x82: {  	_ =	shalt  }
0x83: {  	_ =	shalt  }
0x84: {  	_ =	shalt  }
0x85: {  	_ =	shalt  }
0x86: {  	_ =	shalt  }
0x87: {  	_ =	shalt  }
.Lfunc_end0:
.L_simem_size_0:
called_computation.2_lowered:
.L_overlay_start_0:
0x88: {  	s2 =	sld [smem:$0x3FD9]  }
0x89: {  	s3 =	sld [smem:$0x3FFE];
	_ =	sdelay $0x1  }
0x8a: {  	s1 =	srdreg.scid  }
0x8b: {  	s0 =	sand.u32 $0x1, s1  }
0x8c: {  	s17 =	sshll.u32 s0, $0xA;
	s2 =	sadd.s32 s3, s2  }
0x8d: {  	s2 =	sadd.s32 s2, s17  }
0x8e: {  	[smem:$0x3FC5] =	sst s2  }
0x8f: {  	_ = 	snop  }
0x90: {  	s18 =	sld [smem:$0x3FC7];
	(tm) =	ssettm $0x1  }
0x91: {  	s19 =	sld [smem:$0x3FFB];
	_ =	sdelay $0x3  }
0x92: {  	_ =	strace s19  }
0x93: {  	s2 =	sld [smem:$0x3FFC];
	_ =	sdelay $0x3  }
0x94: {  	_ =	strace s2  }
0x95: {  	s2 =	sld [smem:$0x3FFD];
	_ =	sdelay $0x3  }
0x96: {  	_ =	strace s2  }
0x97: {  	_ =	strace $0x8FFFFFFF  }
0x98: {  	s20 =	sld [smem:$0x3FDB];
	_ =	sdelay $0x1  }
0x99: {  	s4 =	simm.s32 $_scs_section_size  }
0x9a: {  	s5 =	simm.s32 $_size__tile_overlayer_lowered;
	s6 =	simm.s32 $_tile_overlayer_lowered  }
0x9b: {  	s7 =	simm.s32 $0x1BFF;
	s21 =	sshll.u32 s6, $0x1;
	s4 =	sadd.s32 s4, s20  }
0x9c: {  	s22 =	simm.s32 $0x0;
	s5 =	sshll.u32 s5, $0x1;
	s6 =	sadd.s32 s21, s4  }
0x9d: {  	[timem:s22], [sflag:s7] =	dma.local [hbm:s6], s5  }
0x9e: {  	_ =	swait.ge [sflag:s7], s5  }
0x9f: {  	s5 =	ssub.s32 $0x0, s5;
	[sflag:s7] =	ssyncset.done $0x0  }
0xa0: {  	[sflag:s7] =	ssyncadd.s32 s5;
	_ =	sdelay $0x1  }
0xa1: {  	s23 =	simm.s32 $0x1B8B  }
0xa2: {  	_ =	swait.ge [sflag:s23], $0x1  }
0xa3: {  	[sflag:s23] =	ssyncset.done $0x0  }
0xa4: {  	[sflag:s23] =	ssyncadd.s32 $0xFFFFFFFF  }
0xa5: {  	s5 =	sld [smem:$0x0]  }
0xa6: {  	s6 =	sand.u32 $0xFFFFFFFE, s1  }
0xa7: {  	p0 =	sne.s32 s1, s6  }
0xa8: {  	s6 =	sshll.u32 @p0 s6, $0xE  }
0xa9: {  	s6 =	sadd.s32 @p0 $0x11B8D, s6;
	s7 =	sshll.u32 @p0 s5, $0x11  }
0xaa: {  	s6 =	sor.u32 @p0 s7, s6  }
0xab: {  	[sflag:s6] =	ssyncadd.remote.s32 @p0 $0x1;
	_ =	sdelay $0x1  }
0xac: {  	s6 =	simm.s32 @p0 $0x1B8D  }
0xad: {  	_ =	swait.eq @p0 [sflag:s6], $0x1  }
0xae: {  	[sflag:s6] =	ssyncadd.s32 @p0 $0xFFFFFFFF  }
0xaf: {  	s7 =	sshll.u32 @!p0 s1, $0xE  }
0xb0: {  	s7 =	sor.u32 @!p0 $0x4000, s7;
	s6 =	simm.s32 @!p0 $0x1B8D  }
0xb1: {  	s5 =	sshll.u32 @!p0 s5, $0x11;
	s7 =	sadd.s32 @!p0 $0x11B8D, s7;
	_ =	swait.eq @!p0 [sflag:s6], $0x1  }
0xb2: {  	s5 =	sor.u32 @!p0 s5, s7;
	[sflag:s6] =	ssyncadd.s32 @!p0 $0xFFFFFFFF  }
0xb3: {  	s25 =	simm.s32 $0x1B8E;
	s24 =	sld [smem:$0x3FFE];
	[sflag:s5] =	ssyncadd.remote.s32 @!p0 $0x1  }
0xb4: {  	s26 =	simm.s32 $execute0_lowered;
	[smem:$0x3FD2] =	sst s25  }
0xb5: {  	s6 =	sshll.u32 s26, $0x1;
	_ =	strace $0x80000049;
	[dreg:$0x1] =	wrdreg $0xFFFFFFFF  }
0xb6: {  	s28 =	simm.s32 $_size_execute0_lowered;
	s4 =	sadd.s32 s4, s6;
	[dreg:$0x0] =	wrdreg $0x0  }
0xb7: {  	s6 =	sshll.u32 s28, $0x1;
	[dreg:$0x2] =	wrdreg s4  }
0xb8: {  	[dreg:$0x3] =	wrdreg s6  }
0xb9: {  	[dreg:$0x4] =	wrdreg $0xC0  }
0xba: {  	_ =	task [dreg:s22], $0x5FFFF  }
0xbb: {  	[dreg:$0x1] =	wrdreg $0xFFFFFFFF  }
0xbc: {  	[dreg:$0x0] =	wrdreg $0x60  }
0xbd: {  	[dreg:$0x2] =	wrdreg s18  }
0xbe: {  	[dreg:$0x3] =	wrdreg s24  }
0xbf: {  	[dreg:$0x4] =	wrdreg $0xB  }
0xc0: {  	_ =	task.clear_ibuf [dreg:s22], $0x5FFFF;
	_ =	strace $0x90000049  }
0xc1: {  	s29 =	simm.s32 $0xB;
	_ =	strace $0x8000004B  }
0xc2: {  	_ =	swait.ge [sflag:s29], $0x1  }
0xc3: {  	[sflag:s29] =	ssyncadd.s32 $0xFFFFFFFF  }
0xc4: {  	_ =	strace $0x9000004B  }
0xc5: {  	_ =	sfence  }
0xc6: {  	s30 =	sld [smem:$0x0];
	_ =	sdelay $0x2  }
0xc7: {  	s31 =	sshll.u32 s1, $0xD;
	s1 =	sshrl.u32 s1, $0x2  }
0xc8: {  	s4 =	sand.u32 $0x4000, s31;
	s1 =	sadd.s32 s1, s30  }
0xc9: {  	s0 =	sor.u32 s4, s0;
	s1 =	sshll.u32 s1, $0x11  }
0xca: {  	s0 =	sor.u32 s1, s0  }
0xcb: {  	s0 =	sadd.s32 $0x8F2B, s0  }
0xcc: {  	[sflag:s0] =	ssyncadd.remote.s32 $0x1  }
0xcd: {  	_ =	sfence.sel $0xFFFF  }
0xce: {  	[dreg:$0x0] =	wrdreg $0xFFFFFFFF;
	(pc) =	sbr.abs _section_cstart, $3  }
0xcf: {  	[dreg:$0x1] =	wrdreg $0xFFFFFFFF  }
0xd0: {  	_ =	task.clear_ibuf [dreg:s22], $0x2FFFF;
	_ =	strace $0x9FFFFFFF  }
0xd1: {  	(tm) =	ssettm $0x7FFFFFFF  }
tec
execute0_lowered:
.L_overlay_start_1:
0x0: {  	(tag) =	ssettag $0x1  }
0x1: {  	s2 =	rddreg [dreg:$0x0]  }
0x2: {  	s8 =	rddreg [dreg:$0x1];
	s3 =	srdreg.scid  }
0x3: {  	s0 =	rddreg [dreg:$0x2];
	s1 =	stileid.u32;
	s11 =	sand.u32 $0x1, s3  }
0x4: {  	s3 =	simm.s32 $0x0;
	s4 =	sshll.u32 s1, $0xE;
	s5 =	sshll.u32 s11, $0xD  }
0x5: {  	s9 =	sadd.s32 $0x83800, s8;
	[smem:$0x7FF] =	sst s3;
	s10 =	sor.u32 s5, s4  }
0x6: {  	_ =	strace $0x8000004A;
	s5 =	simm.s32 $0x3;
	s4 =	sadd.s32 s9, s10  }
0x7: {  	[tilespmem:s3], [sflag:$0x3] =	stream.linear.gather [hbm4b:s4+s3], $0x8000, $0x38;
	[tilespmem:$0x18000] =	vst v63  }
0x8: {  	_ =	swait.ge [sflag:s5], $0x8000  }
0x9: {  	[sflag:s5] =	ssyncset.done $0x0  }
0xa: {  	s6 =	simm.s32 $0x8000;
	s7 =	simm.s32 $0x1;
	[sflag:s5] =	ssyncadd.s32 $0xFFFF8000  }
0xb: {  	[tilespmem:s6], [sflag:$0x1] =	stream.indirect.gather [hbm4b:s2+s6], $0x1, s3, s6, $0xb8;
	[tilespmem:$0x18000] =	vst v63  }
0xc: {  	_ =	swait.ge [sflag:s7], $0x8000  }
0xd: {  	s12 =	sadd.s32 $0xC3800, s8;
	[sflag:s7] =	ssyncset.done $0x0  }
0xe: {  	s8 =	sadd.s32 s12, s10;
	s13 =	sor.u32 $0x1000, s10;
	[sflag:s7] =	ssyncadd.s32 $0xFFFF8000  }
0xf: {  	[hbm4b:s8+s3] =	stream.linear.scatter [tilespmem:s6], [sflag:$0x2], $0x8000, $0x38;
	[tilespmem:$0x18000] =	vst v63  }
0x10: {  	s9 =	sadd.s32 s9, s13  }
0x11: {  	[tilespmem:s3], [sflag:$0x3] =	stream.linear.gather [hbm4b:s9+s3], $0x8000, $0x38;
	[tilespmem:$0x18000] =	vst v63  }
0x12: {  	_ =	swait.ge [sflag:s5], $0x8000  }
0x13: {  	s14 =	ssub.s32 $0x2, s11;
	[sflag:s5] =	ssyncset.done $0x0  }
0x14: {  	s31 =	sshrl.u32 s14, $0x1;
	s10 =	simm.s32 $0x10000;
	[sflag:s5] =	ssyncadd.s32 $0xFFFF8000  }
0x15: {  	[tilespmem:s10], [sflag:$0x1] =	stream.indirect.gather [hbm4b:s2+s6], $0x1, s3, s6, $0xb8;
	[tilespmem:$0x18000] =	vst v63  }
0x16: {  	s12 =	sadd.s32 s12, s13;
	s13 =	ssub.s32 s14, s31;
	_ =	swait.ge [sflag:s7], $0x8000  }
0x17: {  	s13 =	smax.u32 s13, $0x1;
	[sflag:s7] =	ssyncset.done $0x0  }
0x18: {  	s11 =	simm.s32 $0x2;
	p0 =	sne.s32 s13, $0x1;
	[sflag:s7] =	ssyncadd.s32 $0xFFFF8000  }
0x19: {  	[hbm4b:s12+s3] =	stream.linear.scatter [tilespmem:s10], [sflag:$0x2], $0x8000, $0x38;
	[tilespmem:$0x18000] =	vst v63  }
.Ltmp0:
0x1a: {  	_ =	swait.ge [sflag:s11], $0x8000;
	(pc) =	sbr.rel @!p0 .LBB2_2-.Ltmp0, $4  }
0x1b: {  	[sflag:s11] =	ssyncset.done $0x0  }
0x1c: {  	[sflag:s11] =	ssyncadd.s32 $0xFFFF8000  }
0x1d: {  	_ =	swait.ge [sflag:s11], $0x8000  }
0x1e: {  	s13 =	sadd.s32 $0xFFFFFFFF, s13;
	[sflag:s11] =	ssyncset.done $0x0  }
.LBB2_1:
0x1f: {  	p0 =	sne.s32 s13, $0x1;
	s13 =	sadd.s32 $0xFFFFFFFF, s13;
	[sflag:s11] =	ssyncadd.s32 $0xFFFF8000  }
0x20: {  	[tilespmem:s3], [sflag:$0x3] =	stream.linear.gather [hbm4b:s4+s3], $0x8000, $0x38;
	[tilespmem:$0x18000] =	vst v63  }
0x21: {  	_ =	swait.ge [sflag:s5], $0x8000  }
0x22: {  	[sflag:s5] =	ssyncset.done $0x0  }
0x23: {  	[sflag:s5] =	ssyncadd.s32 $0xFFFF8000  }
0x24: {  	[tilespmem:s6], [sflag:$0x1] =	stream.indirect.gather [hbm4b:s2+s6], $0x1, s3, s6, $0xb8;
	[tilespmem:$0x18000] =	vst v63  }
0x25: {  	_ =	swait.ge [sflag:s7], $0x8000  }
0x26: {  	[sflag:s7] =	ssyncset.done $0x0  }
0x27: {  	[sflag:s7] =	ssyncadd.s32 $0xFFFF8000  }
0x28: {  	[hbm4b:s8+s3] =	stream.linear.scatter [tilespmem:s6], [sflag:$0x2], $0x8000, $0x38;
	[tilespmem:$0x18000] =	vst v63  }
0x29: {  	_ = 	snop  }
0x2a: {  	[tilespmem:s3], [sflag:$0x3] =	stream.linear.gather [hbm4b:s9+s3], $0x8000, $0x38;
	[tilespmem:$0x18000] =	vst v63  }
0x2b: {  	_ =	swait.ge [sflag:s5], $0x8000  }
0x2c: {  	[sflag:s5] =	ssyncset.done $0x0  }
0x2d: {  	[sflag:s5] =	ssyncadd.s32 $0xFFFF8000  }
0x2e: {  	[tilespmem:s10], [sflag:$0x1] =	stream.indirect.gather [hbm4b:s2+s6], $0x1, s3, s6, $0xb8;
	[tilespmem:$0x18000] =	vst v63  }
0x2f: {  	_ =	swait.ge [sflag:s7], $0x8000  }
0x30: {  	[sflag:s7] =	ssyncset.done $0x0  }
0x31: {  	[sflag:s7] =	ssyncadd.s32 $0xFFFF8000  }
0x32: {  	[hbm4b:s12+s3] =	stream.linear.scatter [tilespmem:s10], [sflag:$0x2], $0x8000, $0x38;
	[tilespmem:$0x18000] =	vst v63  }
.Ltmp1:
0x33: {  	_ =	swait.ge [sflag:s11], $0x8000;
	(pc) =	sbr.rel @p0 .LBB2_1-.Ltmp1, $4  }
0x34: {  	[sflag:s11] =	ssyncset.done $0x0  }
0x35: {  	[sflag:s11] =	ssyncadd.s32 $0xFFFF8000  }
0x36: {  	_ =	swait.ge [sflag:s11], $0x8000  }
0x37: {  	[sflag:s11] =	ssyncset.done $0x0  }
.LBB2_2:
0x38: {  	[sflag:s11] =	ssyncadd.s32 $0xFFFF8000  }
0x39: {  	_ =	sfence.sel $0x180000  }
0x3a: {  	[bflag:$0x0] =	sbarrier.arrive $0xFFFF  }
0x3b: {  	p0 =	sne.s32 s1, $0x0;
	_ =	strace $0x9000004A  }
0x3c: {  	s0 =	sadd.s32 @!p0 $0x100000, s0;
	[bflag:$0x2] =	sbarrier.arrive $0xFFFF  }
0x3d: {  	[sflag:s0] =	ssyncadd.tile.s32 @!p0 $0x1;
	_ =	shalt  }
.Lfunc_end2:
_tile_overlayer_lowered:
.L_overlay_start_2:
0x3e: {  	(tag) =	ssettag $0x2  }
0x3f: {  	s0 =	rddreg [dreg:$0x0];
	s2 =	stileid.u32  }
0x40: {  	s1 =	rddreg [dreg:$0x1];
	p0 =	sne.s32 s2, $0x0  }
0x41: {  	s3 =	rddreg [dreg:$0x2];
	[bflag:$0x3] =	sbarrier.arrive $0xFFFF;
	s2 =	simm.s32 @!p0 $0x1C03  }
0x42: {  	[timem:s3], [sflag:s2] =	dma.local @!p0 [hbm:s0], s1  }
0x43: {  	s0 =	simm.s32 @!p0 $0x3  }
0x44: {  	_ =	swait.ge @!p0 [sflag:s0], s1  }
0x45: {  	s1 =	ssub.s32 @!p0 $0x0, s1;
	[sflag:s0] =	ssyncset.done @!p0 $0x0  }
0x46: {  	[sflag:s0] =	ssyncadd.s32 @!p0 s1  }
0x47: {  	[bflag:$0x3] =	sbarrier.arrive $0xFFFF  }
0x48: {  	_ =	shalt  }

// kernel: kernel.23.cloned.1.call-start
scs
__scs_entry_jumppad:
0x0: {  	(pc) =	sbr.rel $0x88, $3  }
0x1: {  	(tag) =	ssettag $0x0;
	lr =	simm.s32 $0x1  }
0x2: {  	[smem:$0x3F9E] =	sst lr;
	_ =	strace $0xD0000000  }
0x3: {  	_ = 	snop  }
0x4: {  	_ = 	snop  }
0x5: {  	_ = 	snop  }
0x6: {  	_ = 	snop  }
0x7: {  	_ = 	snop  }
__scs_overlays_trampoline_lowered:
0x8: {  	[smem:$0x3FAD] =	sst s0  }
0x9: {  	[smem:$0x3FAE] =	sst s1  }
0xa: {  	[smem:$0x3FAF] =	sst s2  }
0xb: {  	[smem:$0x3FB0] =	sst s3  }
0xc: {  	[smem:$0x3FB1] =	sst s4  }
0xd: {  	[smem:$0x3FB2] =	sst s5  }
0xe: {  	[smem:$0x3FB3] =	sst s6  }
0xf: {  	[smem:$0x3FB4] =	sst s7  }
0x10: {  	[smem:$0x3FB5] =	sst s8  }
0x11: {  	[smem:$0x3FB6] =	sst s9;
	s0 =	simm.s32 @!p0 $0x0  }
0x12: {  	s1 =	sld [smem:$0x3F9C];
	s0 =	simm.s32 @p0 $0x1  }
0x13: {  	[smem:$0x3FB7] =	sst s0;
	s0 =	simm.s32 @!p1 $0x0  }
0x14: {  	s2 =	sld [smem:$0x3F9B];
	s0 =	simm.s32 @p1 $0x1  }
0x15: {  	[smem:$0x3FB8] =	sst s0;
	s0 =	simm.s32 @!p2 $0x0  }
0x16: {  	s3 =	sld [smem:$0x3FDB];
	s0 =	simm.s32 @p2 $0x1  }
0x17: {  	s4 =	simm.s32 $0x1BF5;
	[smem:$0x3FBA] =	sst s0  }
0x18: {  	s0 =	sld [smem:$0x3F9D];
	_ =	swait.ge [sflag:s4], $0x0  }
0x19: {  	s7 =	sld [smem:$0x3F9E]  }
0x1a: {  	s8 =	sadd.s32 $0xFFFFE003, lr  }
0x1b: {  	s9 =	sadd.s32 $0xFFFFFEF7, lr;
	s5 =	simm.s32 $0xFFFFFFFF;
	p2 =	slt.u32 s8, $0xFFFFF086  }
0x1c: {  	p1 =	slt.u32 s9, $0xF7A;
	s5 =	simm.s32 @!p2 $0x0  }
0x1d: {  	s5 =	simm.s32 @p1 $0x1;
	p0 =	seq.s32 s7, s2  }
0x1e: {  	s7 =	smul.u32 @!p0 $0xF7A, s2;
	p2 =	seq.s32 @!p0 s5, $0x0  }
0x1f: {  	s9 =	smul.u32 $0xF7A, s1;
	s8 =	simm.s32 @!p0 $0x1BF5;
	p2 =	por !p2, p0  }
0x20: {  	[sflag:s8] =	ssyncset.s32 @!p0 $0xFFFFF086;
	s6 =	sadd.s32 @!p0 s3, s7;
	s7 =	simm.s32 @!p0 $0x108  }
0x21: {  	s3 =	sadd.s32 s3, s9;
	s6 =	sadd.s32 @!p0 $0x88, s6;
	s7 =	simm.s32 @p2 $0x1082  }
0x22: {  	[simem:s7], [sflag:s8] =	dma.local @!p0 [hbm:s6], $0xF7A  }
0x23: {  	s9 =	sor.u32 $0xD0000000, s2;
	s6 =	simm.s32 $0x108;
	_ =	swait.ge @!p0 [sflag:s8], $0x0  }
0x24: {  	s3 =	sadd.s32 $0x88, s3;
	s6 =	simm.s32 @!p1 $0x1082;
	[sflag:s4] =	ssyncset.s32 $0xFFFFF086  }
0x25: {  	[simem:s6], [sflag:s4] =	dma.local [hbm:s3], $0xF7A  }
0x26: {  	[smem:$0x3F9E] =	sst s1;
	(tag) =	ssettag s2;
	_ =	strace s9  }
0x27: {  	s1 =	sld [smem:$0x3FAE]  }
0x28: {  	s2 =	sld [smem:$0x3FAF]  }
0x29: {  	s4 =	sld [smem:$0x3FB1]  }
0x2a: {  	p0 =	seq.s32 s5, $0x0;
	s5 =	sld [smem:$0x3FB2]  }
0x2b: {  	s6 =	sld [smem:$0x3FB3]  }
0x2c: {  	s7 =	sld [smem:$0x3FB4]  }
0x2d: {  	s3 =	simm.s32 $0x108;
	s8 =	sld [smem:$0x3FB5]  }
0x2e: {  	s3 =	simm.s32 @!p0 $0x1082;
	s9 =	sld [smem:$0x3FB6]  }
0x2f: {  	lr =	sadd.s32 s0, s3;
	s0 =	sld [smem:$0x3FAD]  }
0x30: {  	s3 =	sld [smem:$0x3FB0]  }
0x31: {  	[smem:$0x3FB9] =	sst s10  }
0x32: {  	s10 =	sld [smem:$0x3FB7];
	_ =	sdelay $0x3  }
0x33: {  	p0 =	seq.s32 s10, $0x1;
	s10 =	sld [smem:$0x3FB9];
	_ =	sdelay $0x3  }
0x34: {  	[smem:$0x3FB9] =	sst s10  }
0x35: {  	s10 =	sld [smem:$0x3FB8];
	_ =	sdelay $0x3  }
0x36: {  	p1 =	seq.s32 s10, $0x1;
	s10 =	sld [smem:$0x3FB9];
	_ =	sdelay $0x3  }
0x37: {  	[smem:$0x3FB9] =	sst s10  }
0x38: {  	s10 =	sld [smem:$0x3FBA]  }
0x39: {  	_ = 	snop;
	(pc) =	sbr.ind lr, $3  }
0x3a: {  	_ = 	snop  }
0x3b: {  	_ = 	snop  }
0x3c: {  	p2 =	seq.s32 s10, $0x1;
	s10 =	sld [smem:$0x3FB9]  }
0x3d: {  	_ =	shalt  }
0x3e: {  	_ =	shalt  }
0x3f: {  	_ =	shalt  }
0x40: {  	_ =	shalt  }
0x41: {  	_ =	shalt  }
0x42: {  	_ =	shalt  }
0x43: {  	_ =	shalt  }
0x44: {  	_ =	shalt  }
0x45: {  	_ =	shalt  }
0x46: {  	_ =	shalt  }
0x47: {  	_ =	shalt  }
0x48: {  	_ =	shalt  }
0x49: {  	_ =	shalt  }
0x4a: {  	_ =	shalt  }
0x4b: {  	_ =	shalt  }
0x4c: {  	_ =	shalt  }
0x4d: {  	_ =	shalt  }
0x4e: {  	_ =	shalt  }
0x4f: {  	_ =	shalt  }
0x50: {  	_ =	shalt  }
0x51: {  	_ =	shalt  }
0x52: {  	_ =	shalt  }
0x53: {  	_ =	shalt  }
0x54: {  	_ =	shalt  }
0x55: {  	_ =	shalt  }
0x56: {  	_ =	shalt  }
0x57: {  	_ =	shalt  }
0x58: {  	_ =	shalt  }
0x59: {  	_ =	shalt  }
0x5a: {  	_ =	shalt  }
0x5b: {  	_ =	shalt  }
0x5c: {  	_ =	shalt  }
0x5d: {  	_ =	shalt  }
0x5e: {  	_ =	shalt  }
0x5f: {  	_ =	shalt  }
0x60: {  	_ =	shalt  }
0x61: {  	_ =	shalt  }
0x62: {  	_ =	shalt  }
0x63: {  	_ =	shalt  }
0x64: {  	_ =	shalt  }
0x65: {  	_ =	shalt  }
0x66: {  	_ =	shalt  }
0x67: {  	_ =	shalt  }
0x68: {  	_ =	shalt  }
0x69: {  	_ =	shalt  }
0x6a: {  	_ =	shalt  }
0x6b: {  	_ =	shalt  }
0x6c: {  	_ =	shalt  }
0x6d: {  	_ =	shalt  }
0x6e: {  	_ =	shalt  }
0x6f: {  	_ =	shalt  }
0x70: {  	_ =	shalt  }
0x71: {  	_ =	shalt  }
0x72: {  	_ =	shalt  }
0x73: {  	_ =	shalt  }
0x74: {  	_ =	shalt  }
0x75: {  	_ =	shalt  }
0x76: {  	_ =	shalt  }
0x77: {  	_ =	shalt  }
0x78: {  	_ =	shalt  }
0x79: {  	_ =	shalt  }
0x7a: {  	_ =	shalt  }
0x7b: {  	_ =	shalt  }
0x7c: {  	_ =	shalt  }
0x7d: {  	_ =	shalt  }
0x7e: {  	_ =	shalt  }
0x7f: {  	_ =	shalt  }
0x80: {  	_ =	shalt  }
0x81: {  	_ =	shalt  }
0x82: {  	_ =	shalt  }
0x83: {  	_ =	shalt  }
0x84: {  	_ =	shalt  }
0x85: {  	_ =	shalt  }
0x86: {  	_ =	shalt  }
0x87: {  	_ =	shalt  }
.Lfunc_end0:
.L_simem_size_0:
called_computation.3_lowered:
.L_overlay_start_0:
0x88: {  	s2 =	sld [smem:$0x3FD9]  }
0x89: {  	s3 =	sld [smem:$0x3FFE];
	_ =	sdelay $0x1  }
0x8a: {  	s1 =	srdreg.scid  }
0x8b: {  	s0 =	sand.u32 $0x1, s1  }
0x8c: {  	s17 =	sshll.u32 s0, $0xA;
	s2 =	sadd.s32 s3, s2  }
0x8d: {  	s2 =	sadd.s32 s2, s17  }
0x8e: {  	[smem:$0x3FC5] =	sst s2  }
0x8f: {  	_ = 	snop  }
0x90: {  	s18 =	sld [smem:$0x3FC7];
	(tm) =	ssettm $0x1  }
0x91: {  	s19 =	sld [smem:$0x3FFB];
	_ =	sdelay $0x3  }
0x92: {  	_ =	strace s19  }
0x93: {  	s2 =	sld [smem:$0x3FFC];
	_ =	sdelay $0x3  }
0x94: {  	_ =	strace s2  }
0x95: {  	s2 =	sld [smem:$0x3FFD];
	_ =	sdelay $0x3  }
0x96: {  	_ =	strace s2  }
0x97: {  	_ =	strace $0x8FFFFFFF  }
0x98: {  	s20 =	sld [smem:$0x3FDB];
	_ =	sdelay $0x1  }
0x99: {  	s4 =	simm.s32 $_scs_section_size  }
0x9a: {  	s5 =	simm.s32 $_size__tile_overlayer_lowered;
	s6 =	simm.s32 $_tile_overlayer_lowered  }
0x9b: {  	s7 =	simm.s32 $0x1BFF;
	s21 =	sshll.u32 s6, $0x1;
	s4 =	sadd.s32 s4, s20  }
0x9c: {  	s22 =	simm.s32 $0x0;
	s5 =	sshll.u32 s5, $0x1;
	s6 =	sadd.s32 s21, s4  }
0x9d: {  	[timem:s22], [sflag:s7] =	dma.local [hbm:s6], s5  }
0x9e: {  	_ =	swait.ge [sflag:s7], s5  }
0x9f: {  	s5 =	ssub.s32 $0x0, s5;
	[sflag:s7] =	ssyncset.done $0x0  }
0xa0: {  	[sflag:s7] =	ssyncadd.s32 s5;
	_ =	sdelay $0x1  }
0xa1: {  	s23 =	simm.s32 $0x1B8B  }
0xa2: {  	_ =	swait.ge [sflag:s23], $0x1  }
0xa3: {  	[sflag:s23] =	ssyncset.done $0x0  }
0xa4: {  	[sflag:s23] =	ssyncadd.s32 $0xFFFFFFFF  }
0xa5: {  	s5 =	sld [smem:$0x0]  }
0xa6: {  	s6 =	sand.u32 $0xFFFFFFFE, s1  }
0xa7: {  	p0 =	sne.s32 s1, s6  }
0xa8: {  	s6 =	sshll.u32 @p0 s6, $0xE  }
0xa9: {  	s6 =	sadd.s32 @p0 $0x11B8D, s6;
	s7 =	sshll.u32 @p0 s5, $0x11  }
0xaa: {  	s6 =	sor.u32 @p0 s7, s6  }
0xab: {  	[sflag:s6] =	ssyncadd.remote.s32 @p0 $0x1;
	_ =	sdelay $0x1  }
0xac: {  	s6 =	simm.s32 @p0 $0x1B8D  }
0xad: {  	_ =	swait.eq @p0 [sflag:s6], $0x1  }
0xae: {  	[sflag:s6] =	ssyncadd.s32 @p0 $0xFFFFFFFF  }
0xaf: {  	s7 =	sshll.u32 @!p0 s1, $0xE  }
0xb0: {  	s7 =	sor.u32 @!p0 $0x4000, s7;
	s6 =	simm.s32 @!p0 $0x1B8D  }
0xb1: {  	s5 =	sshll.u32 @!p0 s5, $0x11;
	s7 =	sadd.s32 @!p0 $0x11B8D, s7;
	_ =	swait.eq @!p0 [sflag:s6], $0x1  }
0xb2: {  	s5 =	sor.u32 @!p0 s5, s7;
	[sflag:s6] =	ssyncadd.s32 @!p0 $0xFFFFFFFF  }
0xb3: {  	s25 =	simm.s32 $0x1B8E;
	s24 =	sld [smem:$0x3FFE];
	[sflag:s5] =	ssyncadd.remote.s32 @!p0 $0x1  }
0xb4: {  	s26 =	simm.s32 $execute0_lowered;
	[smem:$0x3FD2] =	sst s25  }
0xb5: {  	s6 =	sshll.u32 s26, $0x1;
	_ =	strace $0x8000004C;
	[dreg:$0x1] =	wrdreg $0xFFFFFFFF  }
0xb6: {  	s28 =	simm.s32 $_size_execute0_lowered;
	s4 =	sadd.s32 s4, s6;
	[dreg:$0x0] =	wrdreg $0x0  }
0xb7: {  	s6 =	sshll.u32 s28, $0x1;
	[dreg:$0x2] =	wrdreg s4  }
0xb8: {  	[dreg:$0x3] =	wrdreg s6  }
0xb9: {  	[dreg:$0x4] =	wrdreg $0xC0  }
0xba: {  	_ =	task [dreg:s22], $0x5FFFF  }
0xbb: {  	[dreg:$0x1] =	wrdreg $0xFFFFFFFF  }
0xbc: {  	[dreg:$0x0] =	wrdreg $0x60  }
0xbd: {  	[dreg:$0x2] =	wrdreg s18  }
0xbe: {  	[dreg:$0x3] =	wrdreg s24  }
0xbf: {  	[dreg:$0x4] =	wrdreg $0xC  }
0xc0: {  	_ =	task.clear_ibuf [dreg:s22], $0x5FFFF;
	_ =	strace $0x9000004C  }
0xc1: {  	s29 =	simm.s32 $0xC;
	_ =	strace $0x8000004E  }
0xc2: {  	_ =	swait.ge [sflag:s29], $0x1  }
0xc3: {  	[sflag:s29] =	ssyncadd.s32 $0xFFFFFFFF  }
0xc4: {  	_ =	strace $0x9000004E  }
0xc5: {  	_ =	sfence  }
0xc6: {  	s30 =	sld [smem:$0x0];
	_ =	sdelay $0x2  }
0xc7: {  	s31 =	sshll.u32 s1, $0xD;
	s1 =	sshrl.u32 s1, $0x2  }
0xc8: {  	s4 =	sand.u32 $0x4000, s31;
	s1 =	sadd.s32 s1, s30  }
0xc9: {  	s0 =	sor.u32 s4, s0;
	s1 =	sshll.u32 s1, $0x11  }
0xca: {  	s0 =	sor.u32 s1, s0  }
0xcb: {  	s0 =	sadd.s32 $0x8F2B, s0  }
0xcc: {  	[sflag:s0] =	ssyncadd.remote.s32 $0x1  }
0xcd: {  	_ =	sfence.sel $0xFFFF  }
0xce: {  	[dreg:$0x0] =	wrdreg $0xFFFFFFFF;
	(pc) =	sbr.abs _section_cstart, $3  }
0xcf: {  	[dreg:$0x1] =	wrdreg $0xFFFFFFFF  }
0xd0: {  	_ =	task.clear_ibuf [dreg:s22], $0x2FFFF;
	_ =	strace $0x9FFFFFFF  }
0xd1: {  	(tm) =	ssettm $0x7FFFFFFF  }
tec
execute0_lowered:
.L_overlay_start_1:
0x0: {  	(tag) =	ssettag $0x1  }
0x1: {  	s2 =	rddreg [dreg:$0x0]  }
0x2: {  	s8 =	rddreg [dreg:$0x1];
	s3 =	srdreg.scid  }
0x3: {  	s0 =	rddreg [dreg:$0x2];
	s1 =	stileid.u32;
	s11 =	sand.u32 $0x1, s3  }
0x4: {  	s3 =	simm.s32 $0x0;
	s4 =	sshll.u32 s1, $0xE;
	s5 =	sshll.u32 s11, $0xD  }
0x5: {  	s9 =	sadd.s32 $0x103800, s8;
	[smem:$0x7FF] =	sst s3;
	s10 =	sor.u32 s5, s4  }
0x6: {  	_ =	strace $0x8000004D;
	s5 =	simm.s32 $0x3;
	s4 =	sadd.s32 s9, s10  }
0x7: {  	[tilespmem:s3], [sflag:$0x3] =	stream.linear.gather [hbm4b:s4+s3], $0x8000, $0x38;
	[tilespmem:$0x18000] =	vst v63  }
0x8: {  	_ =	swait.ge [sflag:s5], $0x8000  }
0x9: {  	[sflag:s5] =	ssyncset.done $0x0  }
0xa: {  	s6 =	simm.s32 $0x8000;
	s7 =	simm.s32 $0x1;
	[sflag:s5] =	ssyncadd.s32 $0xFFFF8000  }
0xb: {  	[tilespmem:s6], [sflag:$0x1] =	stream.indirect.gather [hbm4b:s2+s6], $0x1, s3, s6, $0xb8;
	[tilespmem:$0x18000] =	vst v63  }
0xc: {  	_ =	swait.ge [sflag:s7], $0x8000  }
0xd: {  	s12 =	sadd.s32 $0x143800, s8;
	[sflag:s7] =	ssyncset.done $0x0  }
0xe: {  	s8 =	sadd.s32 s12, s10;
	s13 =	sor.u32 $0x1000, s10;
	[sflag:s7] =	ssyncadd.s32 $0xFFFF8000  }
0xf: {  	[hbm4b:s8+s3] =	stream.linear.scatter [tilespmem:s6], [sflag:$0x2], $0x8000, $0x38;
	[tilespmem:$0x18000] =	vst v63  }
0x10: {  	s9 =	sadd.s32 s9, s13  }
0x11: {  	[tilespmem:s3], [sflag:$0x3] =	stream.linear.gather [hbm4b:s9+s3], $0x8000, $0x38;
	[tilespmem:$0x18000] =	vst v63  }
0x12: {  	_ =	swait.ge [sflag:s5], $0x8000  }
0x13: {  	s14 =	ssub.s32 $0x2, s11;
	[sflag:s5] =	ssyncset.done $0x0  }
0x14: {  	s31 =	sshrl.u32 s14, $0x1;
	s10 =	simm.s32 $0x10000;
	[sflag:s5] =	ssyncadd.s32 $0xFFFF8000  }
0x15: {  	[tilespmem:s10], [sflag:$0x1] =	stream.indirect.gather [hbm4b:s2+s6], $0x1, s3, s6, $0xb8;
	[tilespmem:$0x18000] =	vst v63  }
0x16: {  	s12 =	sadd.s32 s12, s13;
	s13 =	ssub.s32 s14, s31;
	_ =	swait.ge [sflag:s7], $0x8000  }
0x17: {  	s13 =	smax.u32 s13, $0x1;
	[sflag:s7] =	ssyncset.done $0x0  }
0x18: {  	s11 =	simm.s32 $0x2;
	p0 =	sne.s32 s13, $0x1;
	[sflag:s7] =	ssyncadd.s32 $0xFFFF8000  }
0x19: {  	[hbm4b:s12+s3] =	stream.linear.scatter [tilespmem:s10], [sflag:$0x2], $0x8000, $0x38;
	[tilespmem:$0x18000] =	vst v63  }
.Ltmp0:
0x1a: {  	_ =	swait.ge [sflag:s11], $0x8000;
	(pc) =	sbr.rel @!p0 .LBB2_2-.Ltmp0, $4  }
0x1b: {  	[sflag:s11] =	ssyncset.done $0x0  }
0x1c: {  	[sflag:s11] =	ssyncadd.s32 $0xFFFF8000  }
0x1d: {  	_ =	swait.ge [sflag:s11], $0x8000  }
0x1e: {  	s13 =	sadd.s32 $0xFFFFFFFF, s13;
	[sflag:s11] =	ssyncset.done $0x0  }
.LBB2_1:
0x1f: {  	p0 =	sne.s32 s13, $0x1;
	s13 =	sadd.s32 $0xFFFFFFFF, s13;
	[sflag:s11] =	ssyncadd.s32 $0xFFFF8000  }
0x20: {  	[tilespmem:s3], [sflag:$0x3] =	stream.linear.gather [hbm4b:s4+s3], $0x8000, $0x38;
	[tilespmem:$0x18000] =	vst v63  }
0x21: {  	_ =	swait.ge [sflag:s5], $0x8000  }
0x22: {  	[sflag:s5] =	ssyncset.done $0x0  }
0x23: {  	[sflag:s5] =	ssyncadd.s32 $0xFFFF8000  }
0x24: {  	[tilespmem:s6], [sflag:$0x1] =	stream.indirect.gather [hbm4b:s2+s6], $0x1, s3, s6, $0xb8;
	[tilespmem:$0x18000] =	vst v63  }
0x25: {  	_ =	swait.ge [sflag:s7], $0x8000  }
0x26: {  	[sflag:s7] =	ssyncset.done $0x0  }
0x27: {  	[sflag:s7] =	ssyncadd.s32 $0xFFFF8000  }
0x28: {  	[hbm4b:s8+s3] =	stream.linear.scatter [tilespmem:s6], [sflag:$0x2], $0x8000, $0x38;
	[tilespmem:$0x18000] =	vst v63  }
0x29: {  	_ = 	snop  }
0x2a: {  	[tilespmem:s3], [sflag:$0x3] =	stream.linear.gather [hbm4b:s9+s3], $0x8000, $0x38;
	[tilespmem:$0x18000] =	vst v63  }
0x2b: {  	_ =	swait.ge [sflag:s5], $0x8000  }
0x2c: {  	[sflag:s5] =	ssyncset.done $0x0  }
0x2d: {  	[sflag:s5] =	ssyncadd.s32 $0xFFFF8000  }
0x2e: {  	[tilespmem:s10], [sflag:$0x1] =	stream.indirect.gather [hbm4b:s2+s6], $0x1, s3, s6, $0xb8;
	[tilespmem:$0x18000] =	vst v63  }
0x2f: {  	_ =	swait.ge [sflag:s7], $0x8000  }
0x30: {  	[sflag:s7] =	ssyncset.done $0x0  }
0x31: {  	[sflag:s7] =	ssyncadd.s32 $0xFFFF8000  }
0x32: {  	[hbm4b:s12+s3] =	stream.linear.scatter [tilespmem:s10], [sflag:$0x2], $0x8000, $0x38;
	[tilespmem:$0x18000] =	vst v63  }
.Ltmp1:
0x33: {  	_ =	swait.ge [sflag:s11], $0x8000;
	(pc) =	sbr.rel @p0 .LBB2_1-.Ltmp1, $4  }
0x34: {  	[sflag:s11] =	ssyncset.done $0x0  }
0x35: {  	[sflag:s11] =	ssyncadd.s32 $0xFFFF8000  }
0x36: {  	_ =	swait.ge [sflag:s11], $0x8000  }
0x37: {  	[sflag:s11] =	ssyncset.done $0x0  }
.LBB2_2:
0x38: {  	[sflag:s11] =	ssyncadd.s32 $0xFFFF8000  }
0x39: {  	_ =	sfence.sel $0x180000  }
0x3a: {  	[bflag:$0x0] =	sbarrier.arrive $0xFFFF  }
0x3b: {  	p0 =	sne.s32 s1, $0x0;
	_ =	strace $0x9000004D  }
0x3c: {  	s0 =	sadd.s32 @!p0 $0x100000, s0;
	[bflag:$0x2] =	sbarrier.arrive $0xFFFF  }
0x3d: {  	[sflag:s0] =	ssyncadd.tile.s32 @!p0 $0x1;
	_ =	shalt  }
.Lfunc_end2:
_tile_overlayer_lowered:
.L_overlay_start_2:
0x3e: {  	(tag) =	ssettag $0x2  }
0x3f: {  	s0 =	rddreg [dreg:$0x0];
	s2 =	stileid.u32  }
0x40: {  	s1 =	rddreg [dreg:$0x1];
	p0 =	sne.s32 s2, $0x0  }
0x41: {  	s3 =	rddreg [dreg:$0x2];
	[bflag:$0x3] =	sbarrier.arrive $0xFFFF;
	s2 =	simm.s32 @!p0 $0x1C03  }
0x42: {  	[timem:s3], [sflag:s2] =	dma.local @!p0 [hbm:s0], s1  }
0x43: {  	s0 =	simm.s32 @!p0 $0x3  }
0x44: {  	_ =	swait.ge @!p0 [sflag:s0], s1  }
0x45: {  	s1 =	ssub.s32 @!p0 $0x0, s1;
	[sflag:s0] =	ssyncset.done @!p0 $0x0  }
0x46: {  	[sflag:s0] =	ssyncadd.s32 @!p0 s1  }
0x47: {  	[bflag:$0x3] =	sbarrier.arrive $0xFFFF  }
0x48: {  	_ =	shalt  }

</sc_bundles>
